<compile_context>
chip_gen: v7x
topology: tpu7x:2x2x1
jax: 0.10.2.dev20260603
libtpu: 0.0.44.dev20260713+nightly
codegen_flags: <defaults>
</compile_context>

<pallas_src>
import functools

import jax
import jax.numpy as jnp
from jax import lax
from jax.experimental import pallas as pl
from jax.experimental.pallas import tpu as pltpu
from jax.experimental.pallas import tpu_sc as plsc

NSTATES = 2048
NPDFS = 512
NTRANS = 32768
BATCH = 32
TFRAMES = 300
TPAD = 320

NC, NSUB, L = 2, 16, 16
G_TRANS = NTRANS // L
G_STATE = NSTATES // L
G_PDF = NPDFS // L
UNROLL = 8


def _sc_forward(x, packed, tp, init):
  mesh = plsc.VectorSubcoreMesh(core_axis_name="c", subcore_axis_name="s")

  @functools.partial(
      pl.kernel,
      mesh=mesh,
      out_type=jax.ShapeDtypeStruct((BATCH, TPAD), jnp.float32),
      compiler_params=pltpu.CompilerParams(needs_layout_passes=False),
      scratch_types=[
          pltpu.VMEM((NTRANS,), jnp.int32),
          pltpu.VMEM((NTRANS,), jnp.bfloat16),
          pltpu.VMEM((NSTATES,), jnp.float32),
          pltpu.VMEM((NSTATES,), jnp.float32),
          pltpu.VMEM((NPDFS,), jnp.float32),
          pltpu.VMEM((NPDFS,), jnp.float32),
          pltpu.VMEM((TPAD,), jnp.float32),
          pltpu.SemaphoreType.DMA,
          pltpu.SemaphoreType.DMA,
          pltpu.SemaphoreType.DMA,
          pltpu.SemaphoreType.DMA,
          pltpu.SemaphoreType.DMA,
      ],
  )
  def fwd(x_hbm, pk_hbm, tp_hbm, init_hbm, out_hbm,
          pk_v, tp_v, a_ping, a_pong, px0, px1, cs_v, s0, s1, sp, st, si):
    b = lax.axis_index("s") * NC + lax.axis_index("c")
    ZERO = jnp.zeros((L,), jnp.float32)
    ONE = jnp.full((L,), 1.0, jnp.float32)
    lane = lax.iota(jnp.int32, L)

    cp_pk = pltpu.make_async_copy(pk_hbm, pk_v, sp)
    cp_tp = pltpu.make_async_copy(tp_hbm, tp_v, st)
    cp_in = pltpu.make_async_copy(init_hbm, a_ping, si)
    cp_pk.start()
    cp_tp.start()
    cp_in.start()
    cp_x0 = pltpu.make_async_copy(x_hbm.at[b, 0], px0, s0)
    cp_x1 = pltpu.make_async_copy(x_hbm.at[b, 1], px1, s1)
    cp_x0.start()
    cp_x1.start()

    def _zero(j, _):
      a_pong[pl.ds(j * L, L)] = ZERO
      return 0
    lax.fori_loop(0, G_STATE, _zero, 0)

    def _ones(j, _):
      cs_v[pl.ds(j * L, L)] = ONE
      return 0
    lax.fori_loop(0, TPAD // L, _ones, 0)

    cp_pk.wait()
    cp_tp.wait()
    cp_in.wait()

    def exp_pass(px, inv):
      @plsc.parallel_loop(0, G_PDF, unroll=4)
      def _(j):
        px[pl.ds(j * L, L)] = jnp.exp(px[pl.ds(j * L, L)]) * inv

    def frame_step(src_a, dst_a, px):
      def tbody(j, accs):
        a0, a1 = accs
        off = j * (2 * L)
        pk0 = pk_v[pl.ds(off, L)]
        pk1 = pk_v[pl.ds(off + L, L)]
        w0, w1 = plsc.unpack(
            tp_v[pl.ds(off, 2 * L)], format=plsc.PackFormat.INTERLEAVED,
            preferred_element_type=jnp.float32)
        s0 = pk0 >> 20
        d0 = (pk0 >> 9) & 2047
        p0 = pk0 & 511
        v0 = (plsc.load_gather(src_a, [s0]) * w0
              * plsc.load_gather(px, [p0]))
        plsc.addupdate_scatter(dst_a, [d0], v0)
        s1 = pk1 >> 20
        d1 = (pk1 >> 9) & 2047
        p1 = pk1 & 511
        v1 = (plsc.load_gather(src_a, [s1]) * w1
              * plsc.load_gather(px, [p1]))
        plsc.addupdate_scatter(dst_a, [d1], v1)
        return (a0 + v0, a1 + v1)

      accs = plsc.parallel_loop(
          0, G_TRANS // 2, unroll=4, carry=(ZERO, ZERO))(tbody)
      c = jnp.sum(accs[0] + accs[1])

      @plsc.parallel_loop(0, G_STATE, unroll=8)
      def _(j):
        src_a[pl.ds(j * L, L)] = ZERO
      return c

    def it(i, carry):
      cvec, inv = carry
      t0 = 2 * i
      pltpu.make_async_copy(x_hbm.at[b, t0], px0, s0).wait()
      exp_pass(px0, inv)
      c0 = frame_step(a_ping, a_pong, px0)
      inv = ONE / lax.broadcast_in_dim(c0, (L,), ())

      @pl.when(i < TFRAMES // 2 - 1)
      def _():
        pltpu.make_async_copy(x_hbm.at[b, t0 + 2], px0, s0).start()

      pltpu.make_async_copy(x_hbm.at[b, t0 + 1], px1, s1).wait()
      exp_pass(px1, inv)
      c1 = frame_step(a_pong, a_ping, px1)
      inv = ONE / lax.broadcast_in_dim(c1, (L,), ())

      @pl.when(i < TFRAMES // 2 - 1)
      def _():
        pltpu.make_async_copy(x_hbm.at[b, t0 + 3], px1, s1).start()

      cvec = jnp.where(lane == (t0 & 15), c0, cvec)
      cvec = jnp.where(lane == ((t0 + 1) & 15), c1, cvec)

      @pl.when((i & 7) == 7)
      def _():
        cs_v[pl.ds((i >> 3) * 16, 16)] = cvec

      return (jnp.where((i & 7) == 7, ONE, cvec), inv)

    cvec, _ = lax.fori_loop(0, TFRAMES // 2, it, (ONE, ONE))
    cs_v[pl.ds((TFRAMES // 16) * 16, L)] = cvec
    pltpu.sync_copy(cs_v, out_hbm.at[b])

  return fwd(x, packed, tp, init)


def _logsum(cs, batch):
  def body(cs_ref, o_ref):
    o_ref[0, 0] = jnp.sum(jnp.log(cs_ref[...])) * (1.0 / batch)

  out = pl.pallas_call(
      body,
      out_shape=jax.ShapeDtypeStruct((1, 1), jnp.float32),
      out_specs=pl.BlockSpec(memory_space=pltpu.SMEM),
  )(cs)
  return out[0, 0]


def kernel(x, transitions, transition_probs, initial_probs):
  src = transitions[:, 0]
  dst = transitions[:, 1]
  pdf = transitions[:, 2]
  packed = (src << 20) | (dst << 9) | pdf
  tp_pairs = (transition_probs.astype(jnp.bfloat16)
              .reshape(-1, 2, 16).transpose(0, 2, 1).reshape(-1))
  cs = _sc_forward(x, packed, tp_pairs, initial_probs)
  return _logsum(cs, x.shape[0])

# --- scband reference (transcript-rebuilt; emitter-appended) ---
"""Pipeline reference for scband-chain-loss-56951266345693 (READ-ONLY COPY).

The authoritative reference and input builder live on the scoring server;
editing this copy changes nothing except your own understanding.
"""

import jax, jax.numpy as jnp
import numpy as np

NUM_STATES = 2048
NUM_PDFS = 512
NUM_TRANSITIONS = 32768
B, T = 32, 300


def setup_inputs(seed: int = 0) -> dict:
    key = jax.random.key(seed)
    x = jax.random.normal(key, (B, T, NUM_PDFS), dtype=jnp.float32)
    rng = np.random.RandomState(0)
    src = rng.randint(0, NUM_STATES, NUM_TRANSITIONS)
    dst = rng.randint(0, NUM_STATES, NUM_TRANSITIONS)
    pdf = rng.randint(0, NUM_PDFS, NUM_TRANSITIONS)
    transitions = jnp.asarray(np.stack([src, dst, pdf], axis=1).astype(np.int32))
    raw = rng.rand(NUM_TRANSITIONS).astype(np.float32) + 0.1
    sums = np.zeros(NUM_STATES, dtype=np.float32)
    np.add.at(sums, src, raw)
    probs = raw / sums[src]
    transition_probs = jnp.asarray(probs)
    initial_probs = jnp.full((NUM_STATES,), 1.0 / NUM_STATES, dtype=jnp.float32)
    return {
        "x": x,
        "transitions": transitions,
        "transition_probs": transition_probs,
        "initial_probs": initial_probs,
    }


def reference(x, transitions, transition_probs, initial_probs):
    # ChainLoss.forward: denominator forward pass of LF-MMI.
    # pychain.forward_backward_den computes the total (log) probability of the
    # nnet output sequence under the denominator HMM via the forward algorithm
    # in probability domain with per-frame renormalization (scaling) to avoid
    # underflow; objf accumulates the log of the normalizers.
    src = transitions[:, 0]
    dst = transitions[:, 1]
    pdf = transitions[:, 2]
    num_states = initial_probs.shape[0]

    def seq_objf(x_seq):
        px = jnp.exp(x_seq)  # nnet log-outputs -> pseudo-likelihoods

        def step(carry, px_t):
            alpha, log_tot = carry
            contrib = alpha[src] * transition_probs * px_t[pdf]
            new_alpha = jax.ops.segment_sum(contrib, dst, num_segments=num_states)
            c = jnp.sum(new_alpha)
            alpha_n = new_alpha / c
            return (alpha_n, log_tot + jnp.log(c)), None

        (alpha_T, log_tot), _ = jax.lax.scan(
            step, (initial_probs, jnp.float32(0.0)), px
        )
        return log_tot

    objfs = jax.vmap(seq_objf)(x)
    den_objf = jnp.sum(objfs)
    # avg=True: divide by batch size x.size(0)
    den_objf = den_objf / x.shape[0]
    return den_objf

if __name__ == "__main__":
    import jax
    _d = setup_inputs()
    print(jax.jit(kernel)(*tuple(_d.values())))

</pallas_src>

<mosaic_0001>
#map = affine_map<(d0, d1) -> (0, 0, 0)>
#map1 = affine_map<(d0, d1) -> (0)>
#map2 = affine_map<(d0, d1) -> (0, 0)>
module attributes {stable_mosaic.version = 14 : i64} {
  func.func @fwd(%arg0: i32, %arg1: i32, %arg2: memref<32x300x512xf32, #tpu.memory_space<hbm>>, %arg3: memref<32768xi32, #tpu.memory_space<hbm>>, %arg4: memref<32768xbf16, #tpu.memory_space<hbm>>, %arg5: memref<2048xf32, #tpu.memory_space<hbm>>, %arg6: memref<32x320xf32, #tpu.memory_space<hbm>>, %arg7: memref<32768xi32, #tpu.memory_space<vmem>>, %arg8: memref<32768xbf16, #tpu.memory_space<vmem>>, %arg9: memref<2048xf32, #tpu.memory_space<vmem>>, %arg10: memref<2048xf32, #tpu.memory_space<vmem>>, %arg11: memref<512xf32, #tpu.memory_space<vmem>>, %arg12: memref<512xf32, #tpu.memory_space<vmem>>, %arg13: memref<320xf32, #tpu.memory_space<vmem>>, %arg14: memref<!tpu.dma_semaphore, #tpu.memory_space<semaphore_mem>>, %arg15: memref<!tpu.dma_semaphore, #tpu.memory_space<semaphore_mem>>, %arg16: memref<!tpu.dma_semaphore, #tpu.memory_space<semaphore_mem>>, %arg17: memref<!tpu.dma_semaphore, #tpu.memory_space<semaphore_mem>>, %arg18: memref<!tpu.dma_semaphore, #tpu.memory_space<semaphore_mem>>) attributes {dimension_semantics = [#tpu.dimension_semantics<core_parallel>, #tpu.dimension_semantics<subcore_parallel>], iteration_bounds = array<i64: 2, 16>, scalar_prefetch = 0 : i64, scratch_operands = 12 : i64, tpu.core_type = #tpu.core_type<sc_vector_subcore>, window_params = [{transform_indices = #map}, {transform_indices = #map1}, {transform_indices = #map1}, {transform_indices = #map1}, {transform_indices = #map2}]} {
    %mul3A = arith.constant 2 : i32
    %mul3A_0 = arith.muli %arg1, %mul3A : i32
    %add3A = arith.addi %mul3A_0, %arg0 : i32
    %broadcast_in_dim3A = arith.constant 0.000000e+00 : f32
    %broadcast_in_dim3A_1 = vector.broadcast %broadcast_in_dim3A : f32 to vector<16xf32>
    %broadcast_in_dim3A_2 = arith.constant 1.000000e+00 : f32
    %broadcast_in_dim3A_3 = vector.broadcast %broadcast_in_dim3A_2 : f32 to vector<16xf32>
    %iota3A = tpu.iota {dimensions = array<i32: 0>} : vector<16xi32>
    tpu.enqueue_dma source(%arg3 : memref<32768xi32, #tpu.memory_space<hbm>>) target(%arg7 : memref<32768xi32, #tpu.memory_space<vmem>>) target_semaphore(%arg16 : memref<!tpu.dma_semaphore, #tpu.memory_space<semaphore_mem>>)
    tpu.enqueue_dma source(%arg4 : memref<32768xbf16, #tpu.memory_space<hbm>>) target(%arg8 : memref<32768xbf16, #tpu.memory_space<vmem>>) target_semaphore(%arg17 : memref<!tpu.dma_semaphore, #tpu.memory_space<semaphore_mem>>)
    tpu.enqueue_dma source(%arg5 : memref<2048xf32, #tpu.memory_space<hbm>>) target(%arg9 : memref<2048xf32, #tpu.memory_space<vmem>>) target_semaphore(%arg18 : memref<!tpu.dma_semaphore, #tpu.memory_space<semaphore_mem>>)
    %dma_start3A = arith.constant 0 : i32
    %dma_start3A_4 = arith.constant 0 : i32
    %dma_start3A_5 = tpu.memref_slice %arg2[%add3A, %dma_start3A, %dma_start3A_4] : memref<32x300x512xf32, #tpu.memory_space<hbm>> -> memref<1x1x512xf32, #tpu.memory_space<hbm>>
    %dma_start3A_6 = tpu.memref_squeeze %dma_start3A_5 : memref<1x1x512xf32, #tpu.memory_space<hbm>> -> memref<512xf32, #tpu.memory_space<hbm>>
    %dma_start3A_7 = arith.constant 0 : i32
    %dma_start3A_8 = tpu.memref_slice %arg2[%add3A, %dma_start3A, %dma_start3A_7] : memref<32x300x512xf32, #tpu.memory_space<hbm>> -> memref<1x1x512xf32, #tpu.memory_space<hbm>>
    %dma_start3A_9 = tpu.memref_squeeze %dma_start3A_8 : memref<1x1x512xf32, #tpu.memory_space<hbm>> -> memref<512xf32, #tpu.memory_space<hbm>>
    tpu.enqueue_dma source(%dma_start3A_9 : memref<512xf32, #tpu.memory_space<hbm>>) target(%arg11 : memref<512xf32, #tpu.memory_space<vmem>>) target_semaphore(%arg14 : memref<!tpu.dma_semaphore, #tpu.memory_space<semaphore_mem>>)
    %dma_start3A_10 = arith.constant 1 : i32
    %dma_start3A_11 = arith.constant 0 : i32
    %dma_start3A_12 = tpu.memref_slice %arg2[%add3A, %dma_start3A_10, %dma_start3A_11] : memref<32x300x512xf32, #tpu.memory_space<hbm>> -> memref<1x1x512xf32, #tpu.memory_space<hbm>>
    %dma_start3A_13 = tpu.memref_squeeze %dma_start3A_12 : memref<1x1x512xf32, #tpu.memory_space<hbm>> -> memref<512xf32, #tpu.memory_space<hbm>>
    %dma_start3A_14 = arith.constant 0 : i32
    %dma_start3A_15 = tpu.memref_slice %arg2[%add3A, %dma_start3A_10, %dma_start3A_14] : memref<32x300x512xf32, #tpu.memory_space<hbm>> -> memref<1x1x512xf32, #tpu.memory_space<hbm>>
    %dma_start3A_16 = tpu.memref_squeeze %dma_start3A_15 : memref<1x1x512xf32, #tpu.memory_space<hbm>> -> memref<512xf32, #tpu.memory_space<hbm>>
    tpu.enqueue_dma source(%dma_start3A_16 : memref<512xf32, #tpu.memory_space<hbm>>) target(%arg12 : memref<512xf32, #tpu.memory_space<vmem>>) target_semaphore(%arg15 : memref<!tpu.dma_semaphore, #tpu.memory_space<semaphore_mem>>)
    %scan3A = arith.constant 0 : i32
    %scan3A_17 = arith.constant 0 : i32
    %scan3A_18 = arith.constant 128 : i32
    %scan3A_19 = arith.addi %scan3A_17, %scan3A_18 : i32
    %scan3A_20 = arith.constant 1 : i32
    %scan3A_21 = scf.for %scan3A_37 = %scan3A_17 to %scan3A_19 step %scan3A_20 iter_args(%scan3A_38 = %scan3A) -> (i32)  : i32 {
      %mul3A_39 = arith.constant 16 : i32
      %mul3A_40 = arith.muli %scan3A_37, %mul3A_39 : i32
      %swap3A_41 = arith.index_cast %mul3A_40 : i32 to index
      %swap3A_42 = tpu.vector_load %arg10[%swap3A_41] {strides = array<i32>} : memref<2048xf32, #tpu.memory_space<vmem>>, vector<16xf32>,
      tpu.vector_store %arg10[%swap3A_41], %broadcast_in_dim3A_1 {strides = array<i32>} : memref<2048xf32, #tpu.memory_space<vmem>>, vector<16xf32>,
      %scan3A_43 = arith.constant 0 : i32
      scf.yield %scan3A_43 : i32
    }
    %scan3A_22 = arith.constant 128 : i32
    %scan3A_23 = arith.constant 0 : i32
    %scan3A_24 = arith.constant 0 : i32
    %scan3A_25 = arith.constant 20 : i32
    %scan3A_26 = arith.addi %scan3A_24, %scan3A_25 : i32
    %scan3A_27 = arith.constant 1 : i32
    %scan3A_28 = scf.for %scan3A_37 = %scan3A_24 to %scan3A_26 step %scan3A_27 iter_args(%scan3A_38 = %scan3A_23) -> (i32)  : i32 {
      %mul3A_39 = arith.constant 16 : i32
      %mul3A_40 = arith.muli %scan3A_37, %mul3A_39 : i32
      %swap3A_41 = arith.index_cast %mul3A_40 : i32 to index
      %swap3A_42 = tpu.vector_load %arg13[%swap3A_41] {strides = array<i32>} : memref<320xf32, #tpu.memory_space<vmem>>, vector<16xf32>,
      tpu.vector_store %arg13[%swap3A_41], %broadcast_in_dim3A_3 {strides = array<i32>} : memref<320xf32, #tpu.memory_space<vmem>>, vector<16xf32>,
      %scan3A_43 = arith.constant 0 : i32
      scf.yield %scan3A_43 : i32
    }
    %scan3A_29 = arith.constant 20 : i32
    tpu.wait_dma2 semaphore(%arg16 : memref<!tpu.dma_semaphore, #tpu.memory_space<semaphore_mem>>) src(%arg3 : memref<32768xi32, #tpu.memory_space<hbm>>) dst(%arg7 : memref<32768xi32, #tpu.memory_space<vmem>>)
    tpu.wait_dma2 semaphore(%arg17 : memref<!tpu.dma_semaphore, #tpu.memory_space<semaphore_mem>>) src(%arg4 : memref<32768xbf16, #tpu.memory_space<hbm>>) dst(%arg8 : memref<32768xbf16, #tpu.memory_space<vmem>>)
    tpu.wait_dma2 semaphore(%arg18 : memref<!tpu.dma_semaphore, #tpu.memory_space<semaphore_mem>>) src(%arg5 : memref<2048xf32, #tpu.memory_space<hbm>>) dst(%arg9 : memref<2048xf32, #tpu.memory_space<vmem>>)
    %scan3A_30 = arith.constant 0 : i32
    %scan3A_31 = arith.constant 150 : i32
    %scan3A_32 = arith.addi %scan3A_30, %scan3A_31 : i32
    %scan3A_33 = arith.constant 1 : i32
    %scan3A_34:2 = scf.for %scan3A_37 = %scan3A_30 to %scan3A_32 step %scan3A_33 iter_args(%scan3A_38 = %broadcast_in_dim3A_3, %scan3A_39 = %broadcast_in_dim3A_3) -> (vector<16xf32>, vector<16xf32>)  : i32 {
      %mul3A_40 = arith.constant 2 : i32
      %mul3A_41 = arith.muli %mul3A_40, %scan3A_37 : i32
      %dma_wait3A = arith.constant 0 : i32
      %dma_wait3A_42 = tpu.memref_slice %arg2[%add3A, %mul3A_41, %dma_wait3A] : memref<32x300x512xf32, #tpu.memory_space<hbm>> -> memref<1x1x512xf32, #tpu.memory_space<hbm>>
      %dma_wait3A_43 = tpu.memref_squeeze %dma_wait3A_42 : memref<1x1x512xf32, #tpu.memory_space<hbm>> -> memref<512xf32, #tpu.memory_space<hbm>>
      %dma_wait3A_44 = arith.constant 0 : i32
      %dma_wait3A_45 = tpu.memref_slice %arg2[%add3A, %mul3A_41, %dma_wait3A_44] : memref<32x300x512xf32, #tpu.memory_space<hbm>> -> memref<1x1x512xf32, #tpu.memory_space<hbm>>
      %dma_wait3A_46 = tpu.memref_squeeze %dma_wait3A_45 : memref<1x1x512xf32, #tpu.memory_space<hbm>> -> memref<512xf32, #tpu.memory_space<hbm>>
      tpu.wait_dma2 semaphore(%arg14 : memref<!tpu.dma_semaphore, #tpu.memory_space<semaphore_mem>>) src(%dma_wait3A_46 : memref<512xf32, #tpu.memory_space<hbm>>) dst(%arg11 : memref<512xf32, #tpu.memory_space<vmem>>)
      %parallel_loop3A = arith.constant 0 : i32
      %parallel_loop3A_47 = arith.constant 32 : i32
      %parallel_loop3A_48 = arith.constant 1 : i32
      scf.for %parallel_loop3A_116 = %parallel_loop3A to %parallel_loop3A_47 step %parallel_loop3A_48  : i32 {
        %parallel_loop3A_117 = arith.constant 16 : i32
        %parallel_loop3A_118 = arith.muli %parallel_loop3A_116, %parallel_loop3A_117 : i32
        %parallel_loop3A_119 = arith.index_cast %parallel_loop3A_118 : i32 to index
        %parallel_loop3A_120 = tpu.vector_load %arg11[%parallel_loop3A_119] {strides = array<i32>} : memref<512xf32, #tpu.memory_space<vmem>>, vector<16xf32>,
        %parallel_loop3A_121 = math.exp %parallel_loop3A_120 : vector<16xf32>
        %parallel_loop3A_122 = arith.mulf %parallel_loop3A_121, %scan3A_39 : vector<16xf32>
        %parallel_loop3A_123 = arith.constant 16 : i32
        %parallel_loop3A_124 = arith.muli %parallel_loop3A_116, %parallel_loop3A_123 : i32
        %parallel_loop3A_125 = arith.index_cast %parallel_loop3A_124 : i32 to index
        %parallel_loop3A_126 = tpu.vector_load %arg11[%parallel_loop3A_125] {strides = array<i32>} : memref<512xf32, #tpu.memory_space<vmem>>, vector<16xf32>,
        tpu.vector_store %arg11[%parallel_loop3A_125], %parallel_loop3A_122 {strides = array<i32>} : memref<512xf32, #tpu.memory_space<vmem>>, vector<16xf32>,
      } {sc.loop_unroll_factor = 4 : i64, sc.parallel_access}
      %parallel_loop3A_49 = arith.constant 0 : i32
      %parallel_loop3A_50 = arith.constant 1024 : i32
      %parallel_loop3A_51 = arith.constant 1 : i32
      %parallel_loop3A_52:2 = scf.for %parallel_loop3A_116 = %parallel_loop3A_49 to %parallel_loop3A_50 step %parallel_loop3A_51 iter_args(%parallel_loop3A_117 = %broadcast_in_dim3A_1, %parallel_loop3A_118 = %broadcast_in_dim3A_1) -> (vector<16xf32>, vector<16xf32>)  : i32 {
        %parallel_loop3A_119 = arith.constant 32 : i32
        %parallel_loop3A_120 = arith.muli %parallel_loop3A_116, %parallel_loop3A_119 : i32
        %parallel_loop3A_121 = arith.index_cast %parallel_loop3A_120 : i32 to index
        %parallel_loop3A_122 = tpu.vector_load %arg7[%parallel_loop3A_121] {strides = array<i32>} : memref<32768xi32, #tpu.memory_space<vmem>>, vector<16xi32>,
        %parallel_loop3A_123 = arith.constant 16 : i32
        %parallel_loop3A_124 = arith.addi %parallel_loop3A_120, %parallel_loop3A_123 : i32
        %parallel_loop3A_125 = arith.index_cast %parallel_loop3A_124 : i32 to index
        %parallel_loop3A_126 = tpu.vector_load %arg7[%parallel_loop3A_125] {strides = array<i32>} : memref<32768xi32, #tpu.memory_space<vmem>>, vector<16xi32>,
        %parallel_loop3A_127 = arith.index_cast %parallel_loop3A_120 : i32 to index
        %parallel_loop3A_128 = tpu.vector_load %arg8[%parallel_loop3A_127] {strides = array<i32>} : memref<32768xbf16, #tpu.memory_space<vmem>>, vector<32xbf16>,
        %parallel_loop3A_129 = tpu.unpack_subelements %parallel_loop3A_128, 0 {pack_format = #tpu.pack_format<interleaved>} : vector<32xbf16> -> vector<16xf32>
        %parallel_loop3A_130 = tpu.unpack_subelements %parallel_loop3A_128, 1 {pack_format = #tpu.pack_format<interleaved>} : vector<32xbf16> -> vector<16xf32>
        %parallel_loop3A_131 = arith.constant 20 : i32
        %parallel_loop3A_132 = vector.broadcast %parallel_loop3A_131 : i32 to vector<16xi32>
        %parallel_loop3A_133 = arith.shrsi %parallel_loop3A_122, %parallel_loop3A_132 : vector<16xi32>
        %parallel_loop3A_134 = arith.constant 9 : i32
        %parallel_loop3A_135 = vector.broadcast %parallel_loop3A_134 : i32 to vector<16xi32>
        %parallel_loop3A_136 = arith.shrsi %parallel_loop3A_122, %parallel_loop3A_135 : vector<16xi32>
        %parallel_loop3A_137 = arith.constant 2047 : i32
        %parallel_loop3A_138 = vector.broadcast %parallel_loop3A_137 : i32 to vector<16xi32>
        %parallel_loop3A_139 = arith.andi %parallel_loop3A_136, %parallel_loop3A_138 : vector<16xi32>
        %parallel_loop3A_140 = arith.constant 511 : i32
        %parallel_loop3A_141 = vector.broadcast %parallel_loop3A_140 : i32 to vector<16xi32>
        %parallel_loop3A_142 = arith.andi %parallel_loop3A_122, %parallel_loop3A_141 : vector<16xi32>
        %parallel_loop3A_143 = tpu.vector_load_idx %arg9[%parallel_loop3A_133] : memref<2048xf32, #tpu.memory_space<vmem>>[vector<16xi32>], vector<16xf32>,
        %parallel_loop3A_144 = arith.mulf %parallel_loop3A_143, %parallel_loop3A_129 : vector<16xf32>
        %parallel_loop3A_145 = tpu.vector_load_idx %arg11[%parallel_loop3A_142] : memref<512xf32, #tpu.memory_space<vmem>>[vector<16xi32>], vector<16xf32>,
        %parallel_loop3A_146 = arith.mulf %parallel_loop3A_144, %parallel_loop3A_145 : vector<16xf32>
        tpu.vector_store_idx %arg10[%parallel_loop3A_139], %parallel_loop3A_146 {add = true} : memref<2048xf32, #tpu.memory_space<vmem>>[vector<16xi32>], vector<16xf32>,
        %parallel_loop3A_147 = arith.constant 20 : i32
        %parallel_loop3A_148 = vector.broadcast %parallel_loop3A_147 : i32 to vector<16xi32>
        %parallel_loop3A_149 = arith.shrsi %parallel_loop3A_126, %parallel_loop3A_148 : vector<16xi32>
        %parallel_loop3A_150 = arith.constant 9 : i32
        %parallel_loop3A_151 = vector.broadcast %parallel_loop3A_150 : i32 to vector<16xi32>
        %parallel_loop3A_152 = arith.shrsi %parallel_loop3A_126, %parallel_loop3A_151 : vector<16xi32>
        %parallel_loop3A_153 = arith.constant 2047 : i32
        %parallel_loop3A_154 = vector.broadcast %parallel_loop3A_153 : i32 to vector<16xi32>
        %parallel_loop3A_155 = arith.andi %parallel_loop3A_152, %parallel_loop3A_154 : vector<16xi32>
        %parallel_loop3A_156 = arith.constant 511 : i32
        %parallel_loop3A_157 = vector.broadcast %parallel_loop3A_156 : i32 to vector<16xi32>
        %parallel_loop3A_158 = arith.andi %parallel_loop3A_126, %parallel_loop3A_157 : vector<16xi32>
        %parallel_loop3A_159 = tpu.vector_load_idx %arg9[%parallel_loop3A_149] : memref<2048xf32, #tpu.memory_space<vmem>>[vector<16xi32>], vector<16xf32>,
        %parallel_loop3A_160 = arith.mulf %parallel_loop3A_159, %parallel_loop3A_130 : vector<16xf32>
        %parallel_loop3A_161 = tpu.vector_load_idx %arg11[%parallel_loop3A_158] : memref<512xf32, #tpu.memory_space<vmem>>[vector<16xi32>], vector<16xf32>,
        %parallel_loop3A_162 = arith.mulf %parallel_loop3A_160, %parallel_loop3A_161 : vector<16xf32>
        tpu.vector_store_idx %arg10[%parallel_loop3A_155], %parallel_loop3A_162 {add = true} : memref<2048xf32, #tpu.memory_space<vmem>>[vector<16xi32>], vector<16xf32>,
        %parallel_loop3A_163 = arith.addf %parallel_loop3A_117, %parallel_loop3A_146 : vector<16xf32>
        %parallel_loop3A_164 = arith.addf %parallel_loop3A_118, %parallel_loop3A_162 : vector<16xf32>
        scf.yield %parallel_loop3A_163, %parallel_loop3A_164 : vector<16xf32>, vector<16xf32>
      } {sc.loop_unroll_factor = 4 : i64, sc.parallel_access}
      %add3A_53 = arith.addf %parallel_loop3A_52#0, %parallel_loop3A_52#1 : vector<16xf32>
      %reduce_sum3A = arith.constant true
      %reduce_sum3A_54 = vector.broadcast %reduce_sum3A : i1 to vector<16xi1>
      %reduce_sum3A_55 = tpu.scan <sum>, %add3A_53 masked %reduce_sum3A_54 : vector<16xf32>, vector<16xi1> -> vector<16xf32>
      %reduce_sum3A_56 = vector.extract %reduce_sum3A_55[15] : f32 from vector<16xf32>
      %parallel_loop3A_57 = arith.constant 0 : i32
      %parallel_loop3A_58 = arith.constant 128 : i32
      %parallel_loop3A_59 = arith.constant 1 : i32
      scf.for %parallel_loop3A_116 = %parallel_loop3A_57 to %parallel_loop3A_58 step %parallel_loop3A_59  : i32 {
        %parallel_loop3A_117 = arith.constant 16 : i32
        %parallel_loop3A_118 = arith.muli %parallel_loop3A_116, %parallel_loop3A_117 : i32
        %parallel_loop3A_119 = arith.index_cast %parallel_loop3A_118 : i32 to index
        %parallel_loop3A_120 = tpu.vector_load %arg9[%parallel_loop3A_119] {strides = array<i32>} : memref<2048xf32, #tpu.memory_space<vmem>>, vector<16xf32>,
        tpu.vector_store %arg9[%parallel_loop3A_119], %broadcast_in_dim3A_1 {strides = array<i32>} : memref<2048xf32, #tpu.memory_space<vmem>>, vector<16xf32>,
      } {sc.loop_unroll_factor = 8 : i64, sc.parallel_access}
      %broadcast_in_dim3A_60 = vector.broadcast %reduce_sum3A_56 : f32 to vector<16xf32>
      %div3A = arith.divf %broadcast_in_dim3A_3, %broadcast_in_dim3A_60 : vector<16xf32>
      %lt3A = arith.constant 149 : i32
      %lt3A_61 = arith.cmpi slt, %scan3A_37, %lt3A : i32
      %convert_element_type3A = arith.extui %lt3A_61 : i1 to i32
      %cond3A = arith.constant 0 : i32
      %cond3A_62 = arith.cmpi ne, %convert_element_type3A, %cond3A : i32
      scf.if %cond3A_62 {
        %add3A_116 = arith.constant 2 : i32
        %add3A_117 = arith.addi %mul3A_41, %add3A_116 : i32
        %dma_start3A_118 = arith.constant 0 : i32
        %dma_start3A_119 = tpu.memref_slice %arg2[%add3A, %add3A_117, %dma_start3A_118] : memref<32x300x512xf32, #tpu.memory_space<hbm>> -> memref<1x1x512xf32, #tpu.memory_space<hbm>>
        %dma_start3A_120 = tpu.memref_squeeze %dma_start3A_119 : memref<1x1x512xf32, #tpu.memory_space<hbm>> -> memref<512xf32, #tpu.memory_space<hbm>>
        %dma_start3A_121 = arith.constant 0 : i32
        %dma_start3A_122 = tpu.memref_slice %arg2[%add3A, %add3A_117, %dma_start3A_121] : memref<32x300x512xf32, #tpu.memory_space<hbm>> -> memref<1x1x512xf32, #tpu.memory_space<hbm>>
        %dma_start3A_123 = tpu.memref_squeeze %dma_start3A_122 : memref<1x1x512xf32, #tpu.memory_space<hbm>> -> memref<512xf32, #tpu.memory_space<hbm>>
        tpu.enqueue_dma source(%dma_start3A_123 : memref<512xf32, #tpu.memory_space<hbm>>) target(%arg11 : memref<512xf32, #tpu.memory_space<vmem>>) target_semaphore(%arg14 : memref<!tpu.dma_semaphore, #tpu.memory_space<semaphore_mem>>)
      } else {
      }
      %add3A_63 = arith.constant 1 : i32
      %add3A_64 = arith.addi %mul3A_41, %add3A_63 : i32
      %dma_wait3A_65 = arith.constant 0 : i32
      %dma_wait3A_66 = tpu.memref_slice %arg2[%add3A, %add3A_64, %dma_wait3A_65] : memref<32x300x512xf32, #tpu.memory_space<hbm>> -> memref<1x1x512xf32, #tpu.memory_space<hbm>>
      %dma_wait3A_67 = tpu.memref_squeeze %dma_wait3A_66 : memref<1x1x512xf32, #tpu.memory_space<hbm>> -> memref<512xf32, #tpu.memory_space<hbm>>
      %dma_wait3A_68 = arith.constant 0 : i32
      %dma_wait3A_69 = tpu.memref_slice %arg2[%add3A, %add3A_64, %dma_wait3A_68] : memref<32x300x512xf32, #tpu.memory_space<hbm>> -> memref<1x1x512xf32, #tpu.memory_space<hbm>>
      %dma_wait3A_70 = tpu.memref_squeeze %dma_wait3A_69 : memref<1x1x512xf32, #tpu.memory_space<hbm>> -> memref<512xf32, #tpu.memory_space<hbm>>
      tpu.wait_dma2 semaphore(%arg15 : memref<!tpu.dma_semaphore, #tpu.memory_space<semaphore_mem>>) src(%dma_wait3A_70 : memref<512xf32, #tpu.memory_space<hbm>>) dst(%arg12 : memref<512xf32, #tpu.memory_space<vmem>>)
      %parallel_loop3A_71 = arith.constant 0 : i32
      %parallel_loop3A_72 = arith.constant 32 : i32
      %parallel_loop3A_73 = arith.constant 1 : i32
      scf.for %parallel_loop3A_116 = %parallel_loop3A_71 to %parallel_loop3A_72 step %parallel_loop3A_73  : i32 {
        %parallel_loop3A_117 = arith.constant 16 : i32
        %parallel_loop3A_118 = arith.muli %parallel_loop3A_116, %parallel_loop3A_117 : i32
        %parallel_loop3A_119 = arith.index_cast %parallel_loop3A_118 : i32 to index
        %parallel_loop3A_120 = tpu.vector_load %arg12[%parallel_loop3A_119] {strides = array<i32>} : memref<512xf32, #tpu.memory_space<vmem>>, vector<16xf32>,
        %parallel_loop3A_121 = math.exp %parallel_loop3A_120 : vector<16xf32>
        %parallel_loop3A_122 = arith.mulf %parallel_loop3A_121, %div3A : vector<16xf32>
        %parallel_loop3A_123 = arith.constant 16 : i32
        %parallel_loop3A_124 = arith.muli %parallel_loop3A_116, %parallel_loop3A_123 : i32
        %parallel_loop3A_125 = arith.index_cast %parallel_loop3A_124 : i32 to index
        %parallel_loop3A_126 = tpu.vector_load %arg12[%parallel_loop3A_125] {strides = array<i32>} : memref<512xf32, #tpu.memory_space<vmem>>, vector<16xf32>,
        tpu.vector_store %arg12[%parallel_loop3A_125], %parallel_loop3A_122 {strides = array<i32>} : memref<512xf32, #tpu.memory_space<vmem>>, vector<16xf32>,
      } {sc.loop_unroll_factor = 4 : i64, sc.parallel_access}
      %parallel_loop3A_74 = arith.constant 0 : i32
      %parallel_loop3A_75 = arith.constant 1024 : i32
      %parallel_loop3A_76 = arith.constant 1 : i32
      %parallel_loop3A_77:2 = scf.for %parallel_loop3A_116 = %parallel_loop3A_74 to %parallel_loop3A_75 step %parallel_loop3A_76 iter_args(%parallel_loop3A_117 = %broadcast_in_dim3A_1, %parallel_loop3A_118 = %broadcast_in_dim3A_1) -> (vector<16xf32>, vector<16xf32>)  : i32 {
        %parallel_loop3A_119 = arith.constant 32 : i32
        %parallel_loop3A_120 = arith.muli %parallel_loop3A_116, %parallel_loop3A_119 : i32
        %parallel_loop3A_121 = arith.index_cast %parallel_loop3A_120 : i32 to index
        %parallel_loop3A_122 = tpu.vector_load %arg7[%parallel_loop3A_121] {strides = array<i32>} : memref<32768xi32, #tpu.memory_space<vmem>>, vector<16xi32>,
        %parallel_loop3A_123 = arith.constant 16 : i32
        %parallel_loop3A_124 = arith.addi %parallel_loop3A_120, %parallel_loop3A_123 : i32
        %parallel_loop3A_125 = arith.index_cast %parallel_loop3A_124 : i32 to index
        %parallel_loop3A_126 = tpu.vector_load %arg7[%parallel_loop3A_125] {strides = array<i32>} : memref<32768xi32, #tpu.memory_space<vmem>>, vector<16xi32>,
        %parallel_loop3A_127 = arith.index_cast %parallel_loop3A_120 : i32 to index
        %parallel_loop3A_128 = tpu.vector_load %arg8[%parallel_loop3A_127] {strides = array<i32>} : memref<32768xbf16, #tpu.memory_space<vmem>>, vector<32xbf16>,
        %parallel_loop3A_129 = tpu.unpack_subelements %parallel_loop3A_128, 0 {pack_format = #tpu.pack_format<interleaved>} : vector<32xbf16> -> vector<16xf32>
        %parallel_loop3A_130 = tpu.unpack_subelements %parallel_loop3A_128, 1 {pack_format = #tpu.pack_format<interleaved>} : vector<32xbf16> -> vector<16xf32>
        %parallel_loop3A_131 = arith.constant 20 : i32
        %parallel_loop3A_132 = vector.broadcast %parallel_loop3A_131 : i32 to vector<16xi32>
        %parallel_loop3A_133 = arith.shrsi %parallel_loop3A_122, %parallel_loop3A_132 : vector<16xi32>
        %parallel_loop3A_134 = arith.constant 9 : i32
        %parallel_loop3A_135 = vector.broadcast %parallel_loop3A_134 : i32 to vector<16xi32>
        %parallel_loop3A_136 = arith.shrsi %parallel_loop3A_122, %parallel_loop3A_135 : vector<16xi32>
        %parallel_loop3A_137 = arith.constant 2047 : i32
        %parallel_loop3A_138 = vector.broadcast %parallel_loop3A_137 : i32 to vector<16xi32>
        %parallel_loop3A_139 = arith.andi %parallel_loop3A_136, %parallel_loop3A_138 : vector<16xi32>
        %parallel_loop3A_140 = arith.constant 511 : i32
        %parallel_loop3A_141 = vector.broadcast %parallel_loop3A_140 : i32 to vector<16xi32>
        %parallel_loop3A_142 = arith.andi %parallel_loop3A_122, %parallel_loop3A_141 : vector<16xi32>
        %parallel_loop3A_143 = tpu.vector_load_idx %arg10[%parallel_loop3A_133] : memref<2048xf32, #tpu.memory_space<vmem>>[vector<16xi32>], vector<16xf32>,
        %parallel_loop3A_144 = arith.mulf %parallel_loop3A_143, %parallel_loop3A_129 : vector<16xf32>
        %parallel_loop3A_145 = tpu.vector_load_idx %arg12[%parallel_loop3A_142] : memref<512xf32, #tpu.memory_space<vmem>>[vector<16xi32>], vector<16xf32>,
        %parallel_loop3A_146 = arith.mulf %parallel_loop3A_144, %parallel_loop3A_145 : vector<16xf32>
        tpu.vector_store_idx %arg9[%parallel_loop3A_139], %parallel_loop3A_146 {add = true} : memref<2048xf32, #tpu.memory_space<vmem>>[vector<16xi32>], vector<16xf32>,
        %parallel_loop3A_147 = arith.constant 20 : i32
        %parallel_loop3A_148 = vector.broadcast %parallel_loop3A_147 : i32 to vector<16xi32>
        %parallel_loop3A_149 = arith.shrsi %parallel_loop3A_126, %parallel_loop3A_148 : vector<16xi32>
        %parallel_loop3A_150 = arith.constant 9 : i32
        %parallel_loop3A_151 = vector.broadcast %parallel_loop3A_150 : i32 to vector<16xi32>
        %parallel_loop3A_152 = arith.shrsi %parallel_loop3A_126, %parallel_loop3A_151 : vector<16xi32>
        %parallel_loop3A_153 = arith.constant 2047 : i32
        %parallel_loop3A_154 = vector.broadcast %parallel_loop3A_153 : i32 to vector<16xi32>
        %parallel_loop3A_155 = arith.andi %parallel_loop3A_152, %parallel_loop3A_154 : vector<16xi32>
        %parallel_loop3A_156 = arith.constant 511 : i32
        %parallel_loop3A_157 = vector.broadcast %parallel_loop3A_156 : i32 to vector<16xi32>
        %parallel_loop3A_158 = arith.andi %parallel_loop3A_126, %parallel_loop3A_157 : vector<16xi32>
        %parallel_loop3A_159 = tpu.vector_load_idx %arg10[%parallel_loop3A_149] : memref<2048xf32, #tpu.memory_space<vmem>>[vector<16xi32>], vector<16xf32>,
        %parallel_loop3A_160 = arith.mulf %parallel_loop3A_159, %parallel_loop3A_130 : vector<16xf32>
        %parallel_loop3A_161 = tpu.vector_load_idx %arg12[%parallel_loop3A_158] : memref<512xf32, #tpu.memory_space<vmem>>[vector<16xi32>], vector<16xf32>,
        %parallel_loop3A_162 = arith.mulf %parallel_loop3A_160, %parallel_loop3A_161 : vector<16xf32>
        tpu.vector_store_idx %arg9[%parallel_loop3A_155], %parallel_loop3A_162 {add = true} : memref<2048xf32, #tpu.memory_space<vmem>>[vector<16xi32>], vector<16xf32>,
        %parallel_loop3A_163 = arith.addf %parallel_loop3A_117, %parallel_loop3A_146 : vector<16xf32>
        %parallel_loop3A_164 = arith.addf %parallel_loop3A_118, %parallel_loop3A_162 : vector<16xf32>
        scf.yield %parallel_loop3A_163, %parallel_loop3A_164 : vector<16xf32>, vector<16xf32>
      } {sc.loop_unroll_factor = 4 : i64, sc.parallel_access}
      %add3A_78 = arith.addf %parallel_loop3A_77#0, %parallel_loop3A_77#1 : vector<16xf32>
      %reduce_sum3A_79 = arith.constant true
      %reduce_sum3A_80 = vector.broadcast %reduce_sum3A_79 : i1 to vector<16xi1>
      %reduce_sum3A_81 = tpu.scan <sum>, %add3A_78 masked %reduce_sum3A_80 : vector<16xf32>, vector<16xi1> -> vector<16xf32>
      %reduce_sum3A_82 = vector.extract %reduce_sum3A_81[15] : f32 from vector<16xf32>
      %parallel_loop3A_83 = arith.constant 0 : i32
      %parallel_loop3A_84 = arith.constant 128 : i32
      %parallel_loop3A_85 = arith.constant 1 : i32
      scf.for %parallel_loop3A_116 = %parallel_loop3A_83 to %parallel_loop3A_84 step %parallel_loop3A_85  : i32 {
        %parallel_loop3A_117 = arith.constant 16 : i32
        %parallel_loop3A_118 = arith.muli %parallel_loop3A_116, %parallel_loop3A_117 : i32
        %parallel_loop3A_119 = arith.index_cast %parallel_loop3A_118 : i32 to index
        %parallel_loop3A_120 = tpu.vector_load %arg10[%parallel_loop3A_119] {strides = array<i32>} : memref<2048xf32, #tpu.memory_space<vmem>>, vector<16xf32>,
        tpu.vector_store %arg10[%parallel_loop3A_119], %broadcast_in_dim3A_1 {strides = array<i32>} : memref<2048xf32, #tpu.memory_space<vmem>>, vector<16xf32>,
      } {sc.loop_unroll_factor = 8 : i64, sc.parallel_access}
      %broadcast_in_dim3A_86 = vector.broadcast %reduce_sum3A_82 : f32 to vector<16xf32>
      %div3A_87 = arith.divf %broadcast_in_dim3A_3, %broadcast_in_dim3A_86 : vector<16xf32>
      %lt3A_88 = arith.constant 149 : i32
      %lt3A_89 = arith.cmpi slt, %scan3A_37, %lt3A_88 : i32
      %convert_element_type3A_90 = arith.extui %lt3A_89 : i1 to i32
      %cond3A_91 = arith.constant 0 : i32
      %cond3A_92 = arith.cmpi ne, %convert_element_type3A_90, %cond3A_91 : i32
      scf.if %cond3A_92 {
        %add3A_116 = arith.constant 3 : i32
        %add3A_117 = arith.addi %mul3A_41, %add3A_116 : i32
        %dma_start3A_118 = arith.constant 0 : i32
        %dma_start3A_119 = tpu.memref_slice %arg2[%add3A, %add3A_117, %dma_start3A_118] : memref<32x300x512xf32, #tpu.memory_space<hbm>> -> memref<1x1x512xf32, #tpu.memory_space<hbm>>
        %dma_start3A_120 = tpu.memref_squeeze %dma_start3A_119 : memref<1x1x512xf32, #tpu.memory_space<hbm>> -> memref<512xf32, #tpu.memory_space<hbm>>
        %dma_start3A_121 = arith.constant 0 : i32
        %dma_start3A_122 = tpu.memref_slice %arg2[%add3A, %add3A_117, %dma_start3A_121] : memref<32x300x512xf32, #tpu.memory_space<hbm>> -> memref<1x1x512xf32, #tpu.memory_space<hbm>>
        %dma_start3A_123 = tpu.memref_squeeze %dma_start3A_122 : memref<1x1x512xf32, #tpu.memory_space<hbm>> -> memref<512xf32, #tpu.memory_space<hbm>>
        tpu.enqueue_dma source(%dma_start3A_123 : memref<512xf32, #tpu.memory_space<hbm>>) target(%arg12 : memref<512xf32, #tpu.memory_space<vmem>>) target_semaphore(%arg15 : memref<!tpu.dma_semaphore, #tpu.memory_space<semaphore_mem>>)
      } else {
      }
      %and3A = arith.constant 15 : i32
      %and3A_93 = arith.andi %mul3A_41, %and3A : i32
      %eq3A = vector.broadcast %and3A_93 : i32 to vector<16xi32>
      %eq3A_94 = arith.cmpi eq, %iota3A, %eq3A : vector<16xi32>
      %broadcast_in_dim3A_95 = vector.broadcast %reduce_sum3A_56 : f32 to vector<16xf32>
      %select_n3A = arith.select %eq3A_94, %broadcast_in_dim3A_95, %scan3A_38 : vector<16xi1>, vector<16xf32>
      %add3A_96 = arith.constant 1 : i32
      %add3A_97 = arith.addi %mul3A_41, %add3A_96 : i32
      %and3A_98 = arith.constant 15 : i32
      %and3A_99 = arith.andi %add3A_97, %and3A_98 : i32
      %eq3A_100 = vector.broadcast %and3A_99 : i32 to vector<16xi32>
      %eq3A_101 = arith.cmpi eq, %iota3A, %eq3A_100 : vector<16xi32>
      %broadcast_in_dim3A_102 = vector.broadcast %reduce_sum3A_82 : f32 to vector<16xf32>
      %select_n3A_103 = arith.select %eq3A_101, %broadcast_in_dim3A_102, %select_n3A : vector<16xi1>, vector<16xf32>
      %and3A_104 = arith.constant 7 : i32
      %and3A_105 = arith.andi %scan3A_37, %and3A_104 : i32
      %eq3A_106 = arith.constant 7 : i32
      %eq3A_107 = arith.cmpi eq, %and3A_105, %eq3A_106 : i32
      %convert_element_type3A_108 = arith.extui %eq3A_107 : i1 to i32
      %cond3A_109 = arith.constant 0 : i32
      %cond3A_110 = arith.cmpi ne, %convert_element_type3A_108, %cond3A_109 : i32
      scf.if %cond3A_110 {
        %shift_right_arithmetic3A = arith.constant 3 : i32
        %shift_right_arithmetic3A_116 = arith.shrsi %scan3A_37, %shift_right_arithmetic3A : i32
        %mul3A_117 = arith.constant 16 : i32
        %mul3A_118 = arith.muli %shift_right_arithmetic3A_116, %mul3A_117 : i32
        %swap3A_119 = arith.index_cast %mul3A_118 : i32 to index
        %swap3A_120 = tpu.vector_load %arg13[%swap3A_119] {strides = array<i32>} : memref<320xf32, #tpu.memory_space<vmem>>, vector<16xf32>,
        tpu.vector_store %arg13[%swap3A_119], %select_n3A_103 {strides = array<i32>} : memref<320xf32, #tpu.memory_space<vmem>>, vector<16xf32>,
      } else {
      }
      %and3A_111 = arith.constant 7 : i32
      %and3A_112 = arith.andi %scan3A_37, %and3A_111 : i32
      %eq3A_113 = arith.constant 7 : i32
      %eq3A_114 = arith.cmpi eq, %and3A_112, %eq3A_113 : i32
      %select_n3A_115 = arith.select %eq3A_114, %broadcast_in_dim3A_3, %select_n3A_103 : vector<16xf32>
      scf.yield %select_n3A_115, %div3A_87 : vector<16xf32>, vector<16xf32>
    }
    %scan3A_35 = arith.constant 150 : i32
    %swap3A = arith.constant 288 : index
    %swap3A_36 = tpu.vector_load %arg13[%swap3A] {strides = array<i32>} : memref<320xf32, #tpu.memory_space<vmem>>, vector<16xf32>,
    tpu.vector_store %arg13[%swap3A], %scan3A_34#0 {strides = array<i32>} : memref<320xf32, #tpu.memory_space<vmem>>, vector<16xf32>,
    "tpu.region"() ({
      %run_scoped3A = tpu.sem_alloc : memref<!tpu.dma_semaphore, #tpu.memory_space<semaphore_mem>>
      %dma_start3A_37 = arith.constant 0 : i32
      %dma_start3A_38 = tpu.memref_slice %arg6[%add3A, %dma_start3A_37] : memref<32x320xf32, #tpu.memory_space<hbm>> -> memref<1x320xf32, #tpu.memory_space<hbm>>
      %dma_start3A_39 = tpu.memref_squeeze %dma_start3A_38 : memref<1x320xf32, #tpu.memory_space<hbm>> -> memref<320xf32, #tpu.memory_space<hbm>>
      %dma_start3A_40 = arith.constant 0 : i32
      %dma_start3A_41 = tpu.memref_slice %arg6[%add3A, %dma_start3A_40] : memref<32x320xf32, #tpu.memory_space<hbm>> -> memref<1x320xf32, #tpu.memory_space<hbm>>
      %dma_start3A_42 = tpu.memref_squeeze %dma_start3A_41 : memref<1x320xf32, #tpu.memory_space<hbm>> -> memref<320xf32, #tpu.memory_space<hbm>>
      tpu.enqueue_dma source(%arg13 : memref<320xf32, #tpu.memory_space<vmem>>) target(%dma_start3A_42 : memref<320xf32, #tpu.memory_space<hbm>>) target_semaphore(%run_scoped3A : memref<!tpu.dma_semaphore, #tpu.memory_space<semaphore_mem>>)
      %dma_wait3A = arith.constant 0 : i32
      %dma_wait3A_43 = tpu.memref_slice %arg6[%add3A, %dma_wait3A] : memref<32x320xf32, #tpu.memory_space<hbm>> -> memref<1x320xf32, #tpu.memory_space<hbm>>
      %dma_wait3A_44 = tpu.memref_squeeze %dma_wait3A_43 : memref<1x320xf32, #tpu.memory_space<hbm>> -> memref<320xf32, #tpu.memory_space<hbm>>
      %dma_wait3A_45 = arith.constant 0 : i32
      %dma_wait3A_46 = tpu.memref_slice %arg6[%add3A, %dma_wait3A_45] : memref<32x320xf32, #tpu.memory_space<hbm>> -> memref<1x320xf32, #tpu.memory_space<hbm>>
      %dma_wait3A_47 = tpu.memref_squeeze %dma_wait3A_46 : memref<1x320xf32, #tpu.memory_space<hbm>> -> memref<320xf32, #tpu.memory_space<hbm>>
      tpu.wait_dma2 semaphore(%run_scoped3A : memref<!tpu.dma_semaphore, #tpu.memory_space<semaphore_mem>>) src(%arg13 : memref<320xf32, #tpu.memory_space<vmem>>) dst(%dma_wait3A_47 : memref<320xf32, #tpu.memory_space<hbm>>)
      tpu.yield
    }) : () -> ()
    return
  }
}

module attributes {stable_mosaic.version = 14 : i64} {
  func.func @body(%arg0: memref<32x320xf32, #tpu.memory_space<vmem>>, %arg1: memref<1x1xf32, #tpu.memory_space<smem>>) attributes {dimension_semantics = [], scalar_prefetch = 0 : i64, scratch_operands = 0 : i64, tpu.core_type = #tpu.core_type<tc>} {
    %get3A = arith.constant 0 : index
    %get3A_0 = arith.constant 0 : index
    %get3A_1 = vector.load %arg0[%get3A, %get3A_0] : memref<32x320xf32, #tpu.memory_space<vmem>>, vector<32x320xf32>
    %log3A = math.log %get3A_1 : vector<32x320xf32>
    %reduce_sum3A = vector.shape_cast %log3A : vector<32x320xf32> to vector<1x32x320xf32>
    %reduce_sum3A_2 = arith.constant dense<0.000000e+00> : vector<1xf32>
    %reduce_sum3A_3 = vector.multi_reduction <add>, %reduce_sum3A, %reduce_sum3A_2 [1, 2] : vector<1x32x320xf32> to vector<1xf32>
    %reduce_sum3A_4 = vector.shape_cast %reduce_sum3A_3 : vector<1xf32> to vector<1x1x1xf32>
    %reduce_sum3A_5 = vector.extract %reduce_sum3A_4[0, 0, 0] : f32 from vector<1x1x1xf32>
    %mul3A = arith.constant 3.125000e-02 : f32
    %mul3A_6 = arith.mulf %reduce_sum3A_5, %mul3A : f32
    %swap3A = arith.constant 0 : index
    %swap3A_7 = arith.constant 0 : index
    %swap3A_8 = memref.load %arg1[%swap3A, %swap3A_7] : memref<1x1xf32, #tpu.memory_space<smem>>
    memref.store %mul3A_6, %arg1[%swap3A, %swap3A_7] : memref<1x1xf32, #tpu.memory_space<smem>>
    return
  }
}

</mosaic_0001>

<sc_bundles>
// kernel: kernel.4.cloned.1.call-start
scs
__scs_entry_jumppad:
0x0: {  	(pc) =	sbr.rel $0x88, $3  }
0x1: {  	(tag) =	ssettag $0x0;
	lr =	simm.s32 $0x1  }
0x2: {  	[smem:$0x3F9D] =	sst lr;
	_ =	strace $0xD0000000  }
0x3: {  	_ = 	snop  }
0x4: {  	_ = 	snop  }
0x5: {  	_ = 	snop  }
0x6: {  	_ = 	snop  }
0x7: {  	_ = 	snop  }
__scs_overlays_trampoline_lowered:
0x8: {  	[smem:$0x3FAC] =	sst s0  }
0x9: {  	[smem:$0x3FAD] =	sst s1  }
0xa: {  	[smem:$0x3FAE] =	sst s2  }
0xb: {  	[smem:$0x3FAF] =	sst s3  }
0xc: {  	[smem:$0x3FB0] =	sst s4  }
0xd: {  	[smem:$0x3FB1] =	sst s5  }
0xe: {  	[smem:$0x3FB2] =	sst s6  }
0xf: {  	[smem:$0x3FB3] =	sst s7  }
0x10: {  	[smem:$0x3FB4] =	sst s8  }
0x11: {  	[smem:$0x3FB5] =	sst s9;
	s0 =	simm.s32 @!p0 $0x0  }
0x12: {  	s1 =	sld [smem:$0x3F9B];
	s0 =	simm.s32 @p0 $0x1  }
0x13: {  	[smem:$0x3FB6] =	sst s0;
	s0 =	simm.s32 @!p1 $0x0  }
0x14: {  	s2 =	sld [smem:$0x3F9A];
	s0 =	simm.s32 @p1 $0x1  }
0x15: {  	[smem:$0x3FB7] =	sst s0;
	s0 =	simm.s32 @!p2 $0x0  }
0x16: {  	s3 =	sld [smem:$0x3FDB];
	s0 =	simm.s32 @p2 $0x1  }
0x17: {  	s4 =	simm.s32 $0x1BF5;
	[smem:$0x3FB9] =	sst s0  }
0x18: {  	s0 =	sld [smem:$0x3F9C];
	_ =	swait.ge [sflag:s4], $0x0  }
0x19: {  	s7 =	sld [smem:$0x3F9D]  }
0x1a: {  	s8 =	sadd.s32 $0xFFFFE003, lr  }
0x1b: {  	s9 =	sadd.s32 $0xFFFFFEF7, lr;
	s5 =	simm.s32 $0xFFFFFFFF;
	p2 =	slt.u32 s8, $0xFFFFF086  }
0x1c: {  	p1 =	slt.u32 s9, $0xF7A;
	s5 =	simm.s32 @!p2 $0x0  }
0x1d: {  	s5 =	simm.s32 @p1 $0x1;
	p0 =	seq.s32 s7, s2  }
0x1e: {  	s7 =	smul.u32 @!p0 $0xF7A, s2;
	p2 =	seq.s32 @!p0 s5, $0x0  }
0x1f: {  	s9 =	smul.u32 $0xF7A, s1;
	s8 =	simm.s32 @!p0 $0x1BF5;
	p2 =	por !p2, p0  }
0x20: {  	[sflag:s8] =	ssyncset.s32 @!p0 $0xFFFFF086;
	s6 =	sadd.s32 @!p0 s3, s7;
	s7 =	simm.s32 @!p0 $0x108  }
0x21: {  	s3 =	sadd.s32 s3, s9;
	s6 =	sadd.s32 @!p0 $0x88, s6;
	s7 =	simm.s32 @p2 $0x1082  }
0x22: {  	[simem:s7], [sflag:s8] =	dma.local @!p0 [hbm:s6], $0xF7A  }
0x23: {  	s9 =	sor.u32 $0xD0000000, s2;
	s6 =	simm.s32 $0x108;
	_ =	swait.ge @!p0 [sflag:s8], $0x0  }
0x24: {  	s3 =	sadd.s32 $0x88, s3;
	s6 =	simm.s32 @!p1 $0x1082;
	[sflag:s4] =	ssyncset.s32 $0xFFFFF086  }
0x25: {  	[simem:s6], [sflag:s4] =	dma.local [hbm:s3], $0xF7A  }
0x26: {  	[smem:$0x3F9D] =	sst s1;
	(tag) =	ssettag s2;
	_ =	strace s9  }
0x27: {  	s1 =	sld [smem:$0x3FAD]  }
0x28: {  	s2 =	sld [smem:$0x3FAE]  }
0x29: {  	s4 =	sld [smem:$0x3FB0]  }
0x2a: {  	p0 =	seq.s32 s5, $0x0;
	s5 =	sld [smem:$0x3FB1]  }
0x2b: {  	s6 =	sld [smem:$0x3FB2]  }
0x2c: {  	s7 =	sld [smem:$0x3FB3]  }
0x2d: {  	s3 =	simm.s32 $0x108;
	s8 =	sld [smem:$0x3FB4]  }
0x2e: {  	s3 =	simm.s32 @!p0 $0x1082;
	s9 =	sld [smem:$0x3FB5]  }
0x2f: {  	lr =	sadd.s32 s0, s3;
	s0 =	sld [smem:$0x3FAC]  }
0x30: {  	s3 =	sld [smem:$0x3FAF]  }
0x31: {  	[smem:$0x3FB8] =	sst s10  }
0x32: {  	s10 =	sld [smem:$0x3FB6];
	_ =	sdelay $0x3  }
0x33: {  	p0 =	seq.s32 s10, $0x1;
	s10 =	sld [smem:$0x3FB8];
	_ =	sdelay $0x3  }
0x34: {  	[smem:$0x3FB8] =	sst s10  }
0x35: {  	s10 =	sld [smem:$0x3FB7];
	_ =	sdelay $0x3  }
0x36: {  	p1 =	seq.s32 s10, $0x1;
	s10 =	sld [smem:$0x3FB8];
	_ =	sdelay $0x3  }
0x37: {  	[smem:$0x3FB8] =	sst s10  }
0x38: {  	s10 =	sld [smem:$0x3FB9]  }
0x39: {  	_ = 	snop;
	(pc) =	sbr.ind lr, $3  }
0x3a: {  	_ = 	snop  }
0x3b: {  	_ = 	snop  }
0x3c: {  	p2 =	seq.s32 s10, $0x1;
	s10 =	sld [smem:$0x3FB8]  }
0x3d: {  	_ =	shalt  }
0x3e: {  	_ =	shalt  }
0x3f: {  	_ =	shalt  }
0x40: {  	_ =	shalt  }
0x41: {  	_ =	shalt  }
0x42: {  	_ =	shalt  }
0x43: {  	_ =	shalt  }
0x44: {  	_ =	shalt  }
0x45: {  	_ =	shalt  }
0x46: {  	_ =	shalt  }
0x47: {  	_ =	shalt  }
0x48: {  	_ =	shalt  }
0x49: {  	_ =	shalt  }
0x4a: {  	_ =	shalt  }
0x4b: {  	_ =	shalt  }
0x4c: {  	_ =	shalt  }
0x4d: {  	_ =	shalt  }
0x4e: {  	_ =	shalt  }
0x4f: {  	_ =	shalt  }
0x50: {  	_ =	shalt  }
0x51: {  	_ =	shalt  }
0x52: {  	_ =	shalt  }
0x53: {  	_ =	shalt  }
0x54: {  	_ =	shalt  }
0x55: {  	_ =	shalt  }
0x56: {  	_ =	shalt  }
0x57: {  	_ =	shalt  }
0x58: {  	_ =	shalt  }
0x59: {  	_ =	shalt  }
0x5a: {  	_ =	shalt  }
0x5b: {  	_ =	shalt  }
0x5c: {  	_ =	shalt  }
0x5d: {  	_ =	shalt  }
0x5e: {  	_ =	shalt  }
0x5f: {  	_ =	shalt  }
0x60: {  	_ =	shalt  }
0x61: {  	_ =	shalt  }
0x62: {  	_ =	shalt  }
0x63: {  	_ =	shalt  }
0x64: {  	_ =	shalt  }
0x65: {  	_ =	shalt  }
0x66: {  	_ =	shalt  }
0x67: {  	_ =	shalt  }
0x68: {  	_ =	shalt  }
0x69: {  	_ =	shalt  }
0x6a: {  	_ =	shalt  }
0x6b: {  	_ =	shalt  }
0x6c: {  	_ =	shalt  }
0x6d: {  	_ =	shalt  }
0x6e: {  	_ =	shalt  }
0x6f: {  	_ =	shalt  }
0x70: {  	_ =	shalt  }
0x71: {  	_ =	shalt  }
0x72: {  	_ =	shalt  }
0x73: {  	_ =	shalt  }
0x74: {  	_ =	shalt  }
0x75: {  	_ =	shalt  }
0x76: {  	_ =	shalt  }
0x77: {  	_ =	shalt  }
0x78: {  	_ =	shalt  }
0x79: {  	_ =	shalt  }
0x7a: {  	_ =	shalt  }
0x7b: {  	_ =	shalt  }
0x7c: {  	_ =	shalt  }
0x7d: {  	_ =	shalt  }
0x7e: {  	_ =	shalt  }
0x7f: {  	_ =	shalt  }
0x80: {  	_ =	shalt  }
0x81: {  	_ =	shalt  }
0x82: {  	_ =	shalt  }
0x83: {  	_ =	shalt  }
0x84: {  	_ =	shalt  }
0x85: {  	_ =	shalt  }
0x86: {  	_ =	shalt  }
0x87: {  	_ =	shalt  }
.Lfunc_end0:
.L_simem_size_0:
called_computation_lowered:
.L_overlay_start_0:
0x88: {  	s2 =	sld [smem:$0x3FD9]  }
0x89: {  	s3 =	sld [smem:$0x3FFE];
	_ =	sdelay $0x1  }
0x8a: {  	s1 =	srdreg.scid  }
0x8b: {  	s0 =	sand.u32 $0x1, s1  }
0x8c: {  	s17 =	sshll.u32 s0, $0xA;
	s2 =	sadd.s32 s3, s2  }
0x8d: {  	s2 =	sadd.s32 s2, s17  }
0x8e: {  	[smem:$0x3FC4] =	sst s2  }
0x8f: {  	_ = 	snop  }
0x90: {  	s2 =	sld [smem:$0x3FC6];
	(tm) =	ssettm $0x1  }
0x91: {  	s18 =	sld [smem:$0x3FFB];
	_ =	sdelay $0x3  }
0x92: {  	_ =	strace s18  }
0x93: {  	s3 =	sld [smem:$0x3FFC];
	_ =	sdelay $0x3  }
0x94: {  	_ =	strace s3  }
0x95: {  	s3 =	sld [smem:$0x3FFD];
	_ =	sdelay $0x3  }
0x96: {  	_ =	strace s3  }
0x97: {  	_ =	strace $0x8FFFFFFF  }
0x98: {  	s19 =	sld [smem:$0x3FDB];
	_ =	sdelay $0x1  }
0x99: {  	s4 =	simm.s32 $_scs_section_size  }
0x9a: {  	s5 =	simm.s32 $_size__tile_overlayer_lowered;
	s6 =	simm.s32 $_tile_overlayer_lowered  }
0x9b: {  	s22 =	simm.s32 $0x1BFF;
	s21 =	sshll.u32 s6, $0x1;
	s3 =	sadd.s32 s4, s19  }
0x9c: {  	s7 =	simm.s32 $0x0;
	s20 =	sshll.u32 s5, $0x1;
	s5 =	sadd.s32 s21, s3  }
0x9d: {  	[timem:s7], [sflag:s22] =	dma.local [hbm:s5], s20  }
0x9e: {  	_ =	swait.ge [sflag:s22], s20  }
0x9f: {  	s4 =	ssub.s32 $0x0, s20;
	[sflag:s22] =	ssyncset.done $0x0  }
0xa0: {  	[sflag:s22] =	ssyncadd.s32 s4;
	_ =	sdelay $0x1  }
0xa1: {  	s23 =	simm.s32 $0x1B8B  }
0xa2: {  	_ =	swait.ge [sflag:s23], $0x1  }
0xa3: {  	[sflag:s23] =	ssyncset.done $0x0  }
0xa4: {  	s25 =	simm.s32 $0x1B8E;
	s24 =	sld [smem:$0x3FFE];
	[sflag:s23] =	ssyncadd.s32 $0xFFFFFFFF  }
0xa5: {  	s26 =	simm.s32 $execute0_lowered;
	[smem:$0x3FD2] =	sst s25  }
0xa6: {  	s5 =	sshll.u32 s26, $0x1;
	_ =	strace $0x80000046;
	[dreg:$0x1] =	wrdreg $0xFFFFFFFF  }
0xa7: {  	s28 =	simm.s32 $_size_execute0_lowered;
	s3 =	sadd.s32 s3, s5;
	[dreg:$0x0] =	wrdreg $0x0  }
0xa8: {  	s5 =	sshll.u32 s28, $0x1;
	[dreg:$0x2] =	wrdreg s3  }
0xa9: {  	[dreg:$0x3] =	wrdreg s5  }
0xaa: {  	[dreg:$0x4] =	wrdreg $0xC0  }
0xab: {  	_ =	task [dreg:s7], $0x5FFFF  }
0xac: {  	[dreg:$0x1] =	wrdreg $0xFFFFFFFF  }
0xad: {  	[dreg:$0x0] =	wrdreg $0x60  }
0xae: {  	[dreg:$0x2] =	wrdreg s24  }
0xaf: {  	[dreg:$0x3] =	wrdreg s2  }
0xb0: {  	[dreg:$0x4] =	wrdreg $0x9  }
0xb1: {  	_ =	task.clear_ibuf [dreg:s7], $0x5FFFF;
	_ =	strace $0x90000046  }
0xb2: {  	s29 =	simm.s32 $0x9;
	_ =	strace $0x80000048  }
0xb3: {  	_ =	swait.ge [sflag:s29], $0x1  }
0xb4: {  	[sflag:s29] =	ssyncadd.s32 $0xFFFFFFFF  }
0xb5: {  	_ =	strace $0x90000048  }
0xb6: {  	_ =	sfence  }
0xb7: {  	s30 =	sld [smem:$0x0];
	_ =	sdelay $0x2  }
0xb8: {  	s31 =	sshll.u32 s1, $0xD;
	s1 =	sshrl.u32 s1, $0x2  }
0xb9: {  	s3 =	sand.u32 $0x4000, s31;
	s1 =	sadd.s32 s1, s30  }
0xba: {  	s0 =	sor.u32 s3, s0;
	s1 =	sshll.u32 s1, $0x11  }
0xbb: {  	s0 =	sor.u32 s1, s0  }
0xbc: {  	s0 =	sadd.s32 $0x8F2B, s0  }
0xbd: {  	[sflag:s0] =	ssyncadd.remote.s32 $0x1  }
0xbe: {  	_ =	sfence.sel $0xFFFF  }
0xbf: {  	[dreg:$0x0] =	wrdreg $0xFFFFFFFF;
	(pc) =	sbr.abs _section_cstart, $3  }
0xc0: {  	[dreg:$0x1] =	wrdreg $0xFFFFFFFF  }
0xc1: {  	_ =	task.clear_ibuf [dreg:s7], $0x2FFFF;
	_ =	strace $0x9FFFFFFF  }
0xc2: {  	(tm) =	ssettm $0x7FFFFFFF  }
0xc3: {  	_ =	shalt  }
tec
execute0_lowered:
.L_overlay_start_1:
0x0: {  	(tag) =	ssettag $0x1  }
0x1: {  	s0 =	rddreg [dreg:$0x0];
	s3 =	simm.s32 $0x0  }
0x2: {  	s1 =	srdreg.scid;
	s4 =	stileid.u32;
	s13 =	simm.s32 $0xC000  }
0x3: {  	s14 =	simm.s32 $0x80;
	s15 =	simm.s32 $0x400;
	s16 =	simm.s32 $0xD000  }
0x4: {  	s17 =	simm.s32 $0xD200;
	s18 =	simm.s32 $0x3;
	s19 =	simm.s32 $0x4  }
0x5: {  	s20 =	simm.s32 $0x5;
	s21 =	simm.s32 $0x1;
	s22 =	simm.s32 $0xC800  }
0x6: {  	s23 =	simm.s32 $0x2;
	[smem:$0x7FF] =	sst s3;
	s1 =	sand.u32 $0x1, s1  }
0x7: {  	s2 =	sshll.u32 s4, $0x1;
	s5 =	sshrl.u32 s4, $0x2;
	s4 =	sadd.s32 $0x1E00, s0  }
0x8: {  	s25 =	sadd.s32 $0x600, s0;
	s26 =	sadd.s32 $0x1600, s0;
	s2 =	sor.u32 s1, s2  }
0x9: {  	_ =	strace $0x80000047;
	s8 =	smul.u32 $0xC00, s5;
	s6 =	sshll.u32 s2, $0x7  }
0xa: {  	[dreg:$0x3] =	wrdreg s25;
	s9 =	sand.u32 $0x380, s6;
	s6 =	smul.u32 $0x26000, s2  }
0xb: {  	[dreg:$0x4] =	wrdreg s26;
	s1 =	ssub.s32 $0x2, s1;
	s25 =	simm.s32 $0x6  }
0xc: {  	s26 =	simm.s32 $0x0;
	s28 =	sor.u32 s8, s9;
	s30 =	sshrl.u32 s6, $0x3  }
0xd: {  	s29 =	sshrl.u32 s1, $0x1;
	s2 =	sshrl.u32 s28, $0x3;
	s8 =	sadd.s32 s4, s30  }
0xe: {  	s1 =	ssub.s32 s1, s29;
	s0 =	sadd.s32 s2, s0;
	s31 =	sadd.s32 $0x10, s8  }
0xf: {  	v0 =	vimm.f32 $0.0e+00;
	v1 =	vlaneseq.u32;
	s11 =	smax.u32 s1, $0x1;
	s10 =	sadd.s32 $0x99E00, s0;
	[dreg:$0x5] =	wrdreg s31  }
.LBB2_1:
0x10: {  	s0 =	rddreg [dreg:$0x3]  }
0x11: {  	[tilespmem:s3], [sflag:$0x3] =	stream.linear.gather [hbm4b:s0+s3], $0x8000, $0x38;
	[tilespmem:$0xD580] =	vst v63  }
0x12: {  	s29 =	rddreg [dreg:$0x4];
	s1 =	simm.s32 $0x8000  }
0x13: {  	[tilespmem:s1], [sflag:$0x4] =	stream.linear.gather [hbm4b:s29+s3], $0x4000, $0x38;
	[tilespmem:$0xD580] =	vst v63  }
0x14: {  	s30 =	rddreg [dreg:$0x1]  }
0x15: {  	[tilespmem:s13], [sflag:$0x5] =	stream.linear.gather [hbm4b:s30+s3], $0x800, $0x38;
	[tilespmem:$0xD580] =	vst v63  }
0x16: {  	_ = 	snop  }
0x17: {  	[tilespmem:s16], [sflag:$0x1] =	stream.strided.gather [hbm4b:s8+s14], $0x200, s15, s14, $0x38;
	[tilespmem:$0xD580] =	vst v63  }
0x18: {  	s31 =	rddreg [dreg:$0x5];
	s0 =	simm.s32 $0x40;
	s1 =	simm.s32 $0x0  }
0x19: {  	[tilespmem:s17], [sflag:$0x2] =	stream.strided.gather [hbm4b:s31+s14], $0x200, s15, s14, $0x38;
	[tilespmem:$0xD580] =	vst v63  }
.LBB2_2:
0x1a: {  	p0 =	sne.s32 s0, $0x1FC0;
	[tilespmem:s1+$0xC800] =	vst v0;
	s1 =	smov.u32 s0;
	s0 =	sadd.s32 $0x40, s0  }
.Ltmp0:
0x1b: {  	(pc) =	sbr.rel @p0 .LBB2_2-.Ltmp0, $2  }
0x1c: {  	_ =	sdelay $0x2  }
0x1d: {  	s1 =	sshra.s32 s1, $0x2  }
0x1e: {  	[tilespmem:s1+$0xC800] =	vst v0;
	v3 =	vimm.f32 $1.000000000e+00  }
0x1f: {  	[tilespmem:$0xD400] =	vst v3  }
0x20: {  	[tilespmem:$0xD410] =	vst v3  }
0x21: {  	[tilespmem:$0xD420] =	vst v3  }
0x22: {  	[tilespmem:$0xD430] =	vst v3  }
0x23: {  	[tilespmem:$0xD440] =	vst v3  }
0x24: {  	[tilespmem:$0xD450] =	vst v3  }
0x25: {  	[tilespmem:$0xD460] =	vst v3  }
0x26: {  	[tilespmem:$0xD470] =	vst v3  }
0x27: {  	[tilespmem:$0xD480] =	vst v3  }
0x28: {  	[tilespmem:$0xD490] =	vst v3  }
0x29: {  	[tilespmem:$0xD4A0] =	vst v3  }
0x2a: {  	[tilespmem:$0xD4B0] =	vst v3  }
0x2b: {  	[tilespmem:$0xD4C0] =	vst v3  }
0x2c: {  	[tilespmem:$0xD4D0] =	vst v3  }
0x2d: {  	[tilespmem:$0xD4E0] =	vst v3  }
0x2e: {  	[tilespmem:$0xD4F0] =	vst v3  }
0x2f: {  	[tilespmem:$0xD500] =	vst v3  }
0x30: {  	[tilespmem:$0xD510] =	vst v3  }
0x31: {  	[tilespmem:$0xD520] =	vst v3  }
0x32: {  	[tilespmem:$0xD530] =	vst v3  }
0x33: {  	_ =	swait.ge [sflag:s18], $0x8000  }
0x34: {  	[sflag:s18] =	ssyncset.done $0x0  }
0x35: {  	[sflag:s18] =	ssyncadd.s32 $0xFFFF8000  }
0x36: {  	_ =	swait.ge [sflag:s19], $0x4000  }
0x37: {  	[sflag:s19] =	ssyncset.done $0x0  }
0x38: {  	[sflag:s19] =	ssyncadd.s32 $0xFFFFC000  }
0x39: {  	_ =	swait.ge [sflag:s20], $0x800  }
0x3a: {  	[sflag:s20] =	ssyncset.done $0x0  }
0x3b: {  	s28 =	simm.s32 $0x0;
	v2 =	vimm.f32 $1.000000000e+00;
	[sflag:s20] =	ssyncadd.s32 $0xFFFFF800  }
.LBB2_4:
0x3c: {  	_ =	swait.ge [sflag:s21], $0x200  }
0x3d: {  	[sflag:s21] =	ssyncset.done $0x0  }
0x3e: {  	s2 =	simm.s32 $0xD020;
	[sflag:s21] =	ssyncadd.s32 $0xFFFFFE00  }
0x3f: {  	v4 =	vld [tilespmem:s2+$0xFFFFFFF0]  }
0x40: {  	v5 =	vld [tilespmem:s2+$0x10]  }
0x41: {  	v6 =	vld [tilespmem:s2+$0xFFFFFFE0]  }
0x42: {  	s1 =	simm.s32 $0xD060;
	v7 =	vld [tilespmem:s2+$0x0]  }
0x43: {  	v8 =	vld [tilespmem:s1+$0xFFFFFFF0]  }
0x44: {  	v4 =	vmul.f32 $1.442695020e+00, v4  }
0x45: {  	v9 =	vld [tilespmem:s1+$0x10];
	v5 =	vmul.f32 $1.442695020e+00, v5  }
0x46: {  	v6 =	vmul.f32 $1.442695020e+00, v6;
	(erf) = vpow2.f32 v4;
	v4 =	vld [tilespmem:s1+$0xFFFFFFE0]  }
0x47: {  	s0 =	simm.s32 $0xD0A0;
	v7 =	vmul.f32 $1.442695020e+00, v7;
	(erf) = vpow2.f32 v5;
	v5 =	vld [tilespmem:s1+$0x0]  }
0x48: {  	v8 =	vmul.f32 $1.442695020e+00, v8;
	(erf) = vpow2.f32 v6;
	v6 =	vld [tilespmem:s0+$0xFFFFFFF0]  }
0x49: {  	v10 =	vld [tilespmem:s0+$0x10];
	(erf) = vpow2.f32 v7  }
0x4a: {  	v7 =	vmul.f32 $1.442695020e+00, v9;
	(erf) = vpow2.f32 v8;
	v8 =	vld [tilespmem:s0+$0xFFFFFFE0]  }
0x4b: {  	v4 =	vmul.f32 $1.442695020e+00, v4  }
0x4c: {  	(erf) = vpow2.f32 v7  }
0x4d: {  	v5 =	vmul.f32 $1.442695020e+00, v5;
	v6 =	vmul.f32 $1.442695020e+00, v6  }
0x4e: {  	s12 =	simm.s32 $0xD0E0;
	v10 =	vmul.f32 $1.442695020e+00, v10;
	v9 =	vld [tilespmem:s0+$0x0];
	(erf) = vpow2.f32 v4  }
0x4f: {  	v11 =	vld [tilespmem:s12+$0xFFFFFFF0];
	v4 =	vpop (erf);
	(erf) = vpow2.f32 v5;
	v14 =	vmul.f32 $1.442695020e+00, v8  }
0x50: {  	v12 =	vmul.f32 v4, v3;
	v4 =	vpop (erf);
	(erf) = vpow2.f32 v6  }
0x51: {  	v5 =	vld [tilespmem:s12+$0x10];
	v6 =	vpop (erf);
	(erf) = vpow2.f32 v10  }
0x52: {  	v13 =	vmul.f32 v4, v3;
	v4 =	vld [tilespmem:s12+$0xFFFFFFE0];
	v10 =	vpop (erf);
	(erf) = vpow2.f32 v14  }
0x53: {  	v7 =	vmul.f32 $1.442695020e+00, v9;
	[tilespmem:s2+$0xFFFFFFF0] =	vst v12  }
0x54: {  	s29 =	simm.s32 $0x4;
	s24 =	simm.s32 $0xC;
	s30 =	simm.s32 $0xD120;
	v9 =	vmul.f32 $1.442695020e+00, v11;
	v8 =	vmul.f32 v6, v3;
	v6 =	vld [tilespmem:s12+$0x0];
	[tilespmem:s2+$0x10] =	vst v13;
	v11 =	vpop (erf)  }
.LBB2_5:
0x55: {  	s24 =	sadd.s32 $0x4, s24  }
0x56: {  	v12 =	vld [tilespmem:s30+$0xFFFFFFF0];
	v13 =	vmul.f32 $1.442695020e+00, v5;
	[tilespmem:s2+$0xFFFFFFE0] =	vst v8;
	v8 =	vmul.f32 v10, v3;
	p0 =	por $0x0, $0x0;
	p1 =	slt.u32 s24, $0x1C  }
.Ltmp1:
0x57: {  	v15 =	vmul.f32 v11, v3;
	v5 =	vld [tilespmem:s30+$0x10];
	(erf) = vpow2.f32 v7;
	v7 =	vpop (erf);
	v11 =	vmov v4;
	(pc) =	sbr.rel @p1 .LBB2_5-.Ltmp1, $4  }
0x58: {  	v4 =	vld [tilespmem:s30+$0xFFFFFFE0];
	(erf) = vpow2.f32 v9;
	v9 =	vmul.f32 v7, v3;
	v14 =	vpop (erf);
	[tilespmem:s2+$0x0] =	vst v8;
	s2 =	smov.u32 s1;
	s1 =	smov.u32 s0;
	s0 =	smov.u32 s12  }
0x59: {  	v16 =	vmul.f32 $1.442695020e+00, v11;
	v7 =	vmul.f32 $1.442695020e+00, v6;
	s12 =	smov.u32 s30;
	v6 =	vld [tilespmem:s30+$0x0];
	[tilespmem:s2+$0xFFFFFFF0] =	vst v15  }
0x5a: {  	v8 =	vmul.f32 v14, v3;
	(erf) = vpow2.f32 v13;
	[tilespmem:s2+$0x10] =	vst v9;
	v10 =	vpop (erf)  }
0x5b: {  	s30 =	sadd.s32 $0x40, s30;
	v9 =	vmul.f32 $1.442695020e+00, v12;
	(erf) = vpow2.f32 v16;
	v11 =	vpop (erf)  }
0x5c: {  	_ = 	snop  }
0x5d: {  	v5 =	vmul.f32 $1.442695020e+00, v5  }
0x5e: {  	(erf) = vpow2.f32 v7;
	v6 =	vmul.f32 $1.442695020e+00, v6  }
0x5f: {  	(erf) = vpow2.f32 v9;
	v4 =	vmul.f32 $1.442695020e+00, v4  }
0x60: {  	v7 =	vpop (erf);
	(erf) = vpow2.f32 v5;
	v5 =	vmul.f32 v11, v3  }
0x61: {  	(erf) = vpow2.f32 v4;
	v4 =	vmul.f32 v7, v3;
	v7 =	vpop (erf)  }
0x62: {  	(erf) = vpow2.f32 v6;
	[tilespmem:s1+$0xFFFFFFF0] =	vst v5;
	v5 =	vmul.f32 v7, v3;
	v6 =	vpop (erf)  }
0x63: {  	v7 =	vpop (erf)  }
0x64: {  	[tilespmem:s1+$0xFFFFFFE0] =	vst v5;
	v5 =	vmul.f32 v7, v3  }
0x65: {  	v10 =	vmul.f32 v10, v3;
	[tilespmem:s1+$0x10] =	vst v4;
	v4 =	vmul.f32 v6, v3;
	v6 =	vpop (erf)  }
0x66: {  	[tilespmem:s2+$0xFFFFFFE0] =	vst v8;
	v6 =	vmul.f32 v6, v3  }
0x67: {  	[tilespmem:s2+$0x0] =	vst v10;
	v7 =	vpop (erf)  }
0x68: {  	[tilespmem:s0+$0xFFFFFFF0] =	vst v5;
	v5 =	vpop (erf)  }
0x69: {  	[tilespmem:s1+$0x0] =	vst v4;
	v4 =	vmul.f32 v7, v3;
	v5 =	vmul.f32 v5, v3  }
0x6a: {  	[tilespmem:s0+$0x10] =	vst v6;
	v6 =	vpop (erf)  }
0x6b: {  	[tilespmem:s0+$0xFFFFFFE0] =	vst v4;
	v4 =	vmul.f32 v6, v3;
	v6 =	vpop (erf)  }
0x6c: {  	v6 =	vmul.f32 v6, v3;
	v7 =	vpop (erf);
	[tilespmem:s0+$0x0] =	vst v5  }
0x6d: {  	[tilespmem:s12+$0xFFFFFFF0] =	vst v4;
	v4 =	vmul.f32 v7, v3;
	v5 =	vpop (erf)  }
0x6e: {  	[tilespmem:s12+$0x10] =	vst v6;
	v3 =	vmul.f32 v5, v3  }
0x6f: {  	[tilespmem:s12+$0xFFFFFFE0] =	vst v4  }
0x70: {  	s7 =	simm.s32 $0x40;
	[tilespmem:s12+$0x0] =	vst v3  }
0x71: {  	v3 =	vld [tilespmem:s7+$0x20];
	_ =	sdelay $0x2  }
0x72: {  	s1 =	simm.s32 $0x1  }
0x73: {  	s1 =	simm.s32 @!p0 $0x0  }
0x74: {  	s1 =	sadd.s32 $0x0, s1;
	v4 =	vshra.s32 v3, $0x14  }
0x75: {  	s9 =	sor.u32 $0xC0, s1  }
0x76: {  	s2 =	sshra.s32 s9, $0x1;
	v5 =	vand.u32 $0x1FF, v3  }
0x77: {  	v6 =	vld [tilespmem:s2+$0x8000]  }
0x78: {  	v7 =	vld [tilespmem:s7+$0x30]  }
0x79: {  	v4 =	vld.idx.msk [tilespmem:v4+s13+$0x0], $0xffff;
	_ =	sdelay $0x1  }
0x7a: {  	v5 =	vld.idx.msk [tilespmem:v5+s16+$0x0], $0xffff  }
0x7b: {  	v3 =	vshrl.u32 v3, $0x9  }
0x7c: {  	v8 =	vunpack.i.l.bf16.f32 v6;
	v3 =	vand.u32 $0x7FF, v3  }
0x7d: {  	s1 =	sor.u32 $0x80, s1;
	v4 =	vmul.f32 v4, v8;
	v8 =	vshra.s32 v7, $0x14  }
0x7e: {  	s1 =	sshra.s32 s1, $0x1;
	v10 =	vld [tilespmem:s7+$0xFFFFFFE0]  }
0x7f: {  	v11 =	vld [tilespmem:s1+$0x8000];
	v9 =	vmul.f32 v5, v4;
	v4 =	vand.u32 $0x1FF, v7  }
0x80: {  	v24 =	vld [tilespmem:s7+$0x10]  }
0x81: {  	[tilespmem:v3+s22+$0x0] =	vst.idx.add.f32.msk $0xffff, v9  }
0x82: {  	v3 =	vld.idx.msk [tilespmem:v8+s13+$0x0], $0xffff  }
0x83: {  	v8 =	vld [tilespmem:s7+$0xFFFFFFC0]  }
0x84: {  	s30 =	simm.s32 $0xC0;
	s12 =	simm.s32 $0x0;
	v4 =	vld.idx.msk [tilespmem:v4+s16+$0x0], $0xffff  }
0x85: {  	p0 =	por !p0, !p0;
	s1 =	simm.s32 $0x1;
	s2 =	sand.u32 $0x3F80, s12;
	v27 =	vld [tilespmem:s30+$0x30];
	v5 =	vshrl.u32 v7, $0x9  }
0x86: {  	s1 =	simm.s32 @!p0 $0x0;
	v14 =	vld [tilespmem:s2+$0x8020];
	v6 =	vunpack.i.u.bf16.f32 v6;
	v5 =	vand.u32 $0x7FF, v5  }
0x87: {  	v17 =	vld [tilespmem:s2+$0x8000];
	s1 =	sadd.s32 $0x80, s1;
	v3 =	vmul.f32 v3, v6  }
0x88: {  	s24 =	sor.u32 $0xC0, s1;
	v6 =	vld [tilespmem:s30+$0x20];
	v12 =	vshra.s32 v8, $0x14  }
0x89: {  	s12 =	sshra.s32 s24, $0x1;
	v15 =	vshra.s32 v10, $0x14;
	v3 =	vmul.f32 v4, v3;
	v4 =	vld [tilespmem:s7+$0x0]  }
0x8a: {  	v18 =	vld [tilespmem:s12+$0x8000];
	v13 =	vand.u32 $0x1FF, v8  }
0x8b: {  	[tilespmem:v5+s22+$0x0] =	vst.idx.add.f32.msk $0xffff, v3  }
0x8c: {  	v19 =	vand.u32 $0x1FF, v10;
	v5 =	vld [tilespmem:s7+$0xFFFFFFD0]  }
0x8d: {  	v16 =	vshra.s32 v6, $0x14;
	v12 =	vld.idx.msk [tilespmem:v12+s13+$0x0], $0xffff  }
0x8e: {  	v15 =	vld.idx.msk [tilespmem:v15+s13+$0x0], $0xffff;
	v20 =	vshra.s32 v4, $0x14  }
0x8f: {  	v13 =	vld.idx.msk [tilespmem:v13+s16+$0x0], $0xffff;
	v21 =	vand.u32 $0x1FF, v4  }
0x90: {  	v7 =	vld [tilespmem:s7+$0xFFFFFFF0];
	v8 =	vshrl.u32 v8, $0x9;
	v22 =	vand.u32 $0x1FF, v6  }
0x91: {  	v23 =	vunpack.i.l.bf16.f32 v17;
	v19 =	vld.idx.msk [tilespmem:v19+s16+$0x0], $0xffff;
	v8 =	vand.u32 $0x7FF, v8  }
0x92: {  	v50 =	vshra.s32 v5, $0x14;
	v16 =	vld.idx.msk [tilespmem:v16+s13+$0x0], $0xffff;
	v12 =	vmul.f32 v12, v23  }
0x93: {  	v10 =	vshrl.u32 v10, $0x9;
	v25 =	vand.u32 $0x1FF, v5;
	v20 =	vld.idx.msk [tilespmem:v20+s13+$0x0], $0xffff  }
0x94: {  	v26 =	vunpack.i.l.bf16.f32 v14;
	v10 =	vand.u32 $0x7FF, v10;
	v21 =	vld.idx.msk [tilespmem:v21+s16+$0x0], $0xffff;
	v12 =	vmul.f32 v13, v12  }
0x95: {  	v51 =	vshra.s32 v7, $0x14;
	v13 =	vmul.f32 v15, v26;
	v15 =	vld.idx.msk [tilespmem:v22+s16+$0x0], $0xffff  }
0x96: {  	v52 =	vand.u32 $0x1FF, v7;
	v4 =	vshrl.u32 v4, $0x9;
	[tilespmem:v8+s22+$0x0] =	vst.idx.add.f32.msk $0xffff, v12  }
0x97: {  	v4 =	vand.u32 $0x7FF, v4;
	v8 =	vunpack.i.l.bf16.f32 v11;
	v13 =	vmul.f32 v19, v13;
	v53 =	vld.idx.msk [tilespmem:v50+s13+$0x0], $0xffff  }
0x98: {  	v60 =	vimm.f32 $0.0e+00;
	v54 =	vshra.s32 v24, $0x14;
	v55 =	vld.idx.msk [tilespmem:v25+s16+$0x0], $0xffff;
	v8 =	vmul.f32 v20, v8  }
0x99: {  	v58 =	vshra.s32 v27, $0x14;
	v6 =	vshrl.u32 v6, $0x9;
	[tilespmem:v10+s22+$0x0] =	vst.idx.add.f32.msk $0xffff, v13;
	v10 =	vand.u32 $0x1FF, v24  }
0x9a: {  	v56 =	vunpack.i.l.bf16.f32 v18;
	v6 =	vand.u32 $0x7FF, v6;
	v57 =	vld.idx.msk [tilespmem:v51+s13+$0x0], $0xffff;
	v8 =	vmul.f32 v21, v8  }
0x9b: {  	v62 =	vand.u32 $0x1FF, v27;
	v17 =	vunpack.i.u.bf16.f32 v17;
	v16 =	vmul.f32 v16, v56;
	v59 =	vld.idx.msk [tilespmem:v52+s16+$0x0], $0xffff  }
0x9c: {  	v7 =	vshrl.u32 v7, $0x9;
	v5 =	vshrl.u32 v5, $0x9;
	v12 =	vadd.f32 v12, v60;
	[tilespmem:v4+s22+$0x0] =	vst.idx.add.f32.msk $0xffff, v8  }
0x9d: {  	v5 =	vand.u32 $0x7FF, v5;
	v4 =	vmul.f32 v15, v16;
	v15 =	vmul.f32 v53, v17;
	v61 =	vld.idx.msk [tilespmem:v54+s13+$0x0], $0xffff  }
0x9e: {  	v63 =	vld.idx.msk [tilespmem:v10+s16+$0x0], $0xffff;
	v10 =	vunpack.i.u.bf16.f32 v14;
	v14 =	vand.u32 $0x7FF, v7;
	v7 =	vadd.f32 v13, v12  }
0x9f: {  	[tilespmem:v6+s22+$0x0] =	vst.idx.add.f32.msk $0xffff, v4;
	v10 =	vmul.f32 v57, v10  }
0xa0: {  	v6 =	vmul.f32 v55, v15;
	v13 =	vld.idx.msk [tilespmem:v58+s13+$0x0], $0xffff;
	v8 =	vadd.f32 v8, v7  }
0xa1: {  	v7 =	vld.idx.msk [tilespmem:v62+s16+$0x0], $0xffff;
	v10 =	vmul.f32 v59, v10  }
0xa2: {  	[tilespmem:v5+s22+$0x0] =	vst.idx.add.f32.msk $0xffff, v6;
	v12 =	vadd.f32 v6, v60;
	v6 =	vadd.f32 v9, v8;
	v8 =	vshrl.u32 v24, $0x9  }
0xa3: {  	v11 =	vunpack.i.u.bf16.f32 v11;
	v5 =	vld [tilespmem:s30+$0xFFFFFFF0];
	v9 =	vand.u32 $0x7FF, v8  }
0xa4: {  	v11 =	vmul.f32 v61, v11;
	[tilespmem:v14+s22+$0x0] =	vst.idx.add.f32.msk $0xffff, v10  }
0xa5: {  	s31 =	simm.s32 $0x40;
	s0 =	simm.s32 $0x80;
	p0 =	por !p0, !p0;
	v15 =	vshrl.u32 v27, $0x9;
	v10 =	vadd.f32 v10, v12;
	v12 =	vld [tilespmem:s30+$0xFFFFFFE0];
	v8 =	vunpack.i.u.bf16.f32 v18  }
0xa6: {  	s2 =	simm.s32 $0x140;
	s1 =	sor.u32 $0x80, s1;
	s12 =	simm.s32 $0x1;
	v14 =	vld [tilespmem:s30+$0xFFFFFFC0];
	v11 =	vmul.f32 v63, v11;
	v13 =	vmul.f32 v13, v8;
	v8 =	vand.u32 $0x7FF, v15  }
.LBB2_7:
0xa7: {  	s24 =	simm.s32 $0x1  }
0xa8: {  	s29 =	sadd.s32 $0x4, s29;
	s0 =	sadd.s32 $0x80, s0;
	[tilespmem:v9+s22+$0x0] =	vst.idx.add.f32.msk $0xffff, v11;
	v9 =	vadd.f32 v11, v10;
	s24 =	simm.s32 @!p0 $0x0  }
0xa9: {  	s7 =	sshra.s32 s1, $0x1;
	s5 =	sshrl.u32 s0, $0x1;
	s24 =	sadd.s32 s24, s0;
	v10 =	vld [tilespmem:s2+$0x20]  }
0xaa: {  	p1 =	slt.u32 s29, $0x3FC;
	v9 =	vadd.f32 v3, v9;
	v3 =	vmul.f32 v7, v13;
	s1 =	sor.u32 $0x80, s24;
	s24 =	sor.u32 $0xC0, s24;
	v11 =	vld [tilespmem:s7+$0x8000]  }
0xab: {  	v7 =	vld [tilespmem:s30+$0x0]  }
0xac: {  	v13 =	vshra.s32 v14, $0x14;
	v15 =	vshrl.u32 v14, $0x9;
	[tilespmem:v8+s22+$0x0] =	vst.idx.add.f32.msk $0xffff, v3  }
0xad: {  	s7 =	sand.u32 $0x3F80, s31;
	s31 =	smov.u32 s5;
	v14 =	vand.u32 $0x1FF, v14;
	v8 =	vld [tilespmem:s30+$0xFFFFFFD0]  }
0xae: {  	v17 =	vshra.s32 v12, $0x14;
	v18 =	vshrl.u32 v12, $0x9;
	v16 =	vld [tilespmem:s7+$0x8020]  }
0xaf: {  	s5 =	sshra.s32 s24, $0x1;
	v19 =	vshra.s32 v10, $0x14;
	v20 =	vld [tilespmem:s7+$0x8000]  }
0xb0: {  	v12 =	vand.u32 $0x1FF, v12;
	v21 =	vld [tilespmem:s5+$0x8000];
	v22 =	vshra.s32 v7, $0x14;
	v23 =	vshrl.u32 v7, $0x9  }
0xb1: {  	v13 =	vld.idx.msk [tilespmem:v13+s13+$0x0], $0xffff  }
0xb2: {  	v14 =	vld.idx.msk [tilespmem:v14+s16+$0x0], $0xffff;
	v24 =	vshrl.u32 v8, $0x9  }
0xb3: {  	v7 =	vand.u32 $0x1FF, v7;
	v17 =	vld.idx.msk [tilespmem:v17+s13+$0x0], $0xffff  }
0xb4: {  	v19 =	vld.idx.msk [tilespmem:v19+s13+$0x0], $0xffff  }
0xb5: {  	v25 =	vand.u32 $0x1FF, v10;
	v12 =	vld.idx.msk [tilespmem:v12+s16+$0x0], $0xffff  }
0xb6: {  	v15 =	vand.u32 $0x7FF, v15;
	v26 =	vunpack.i.l.bf16.f32 v20;
	v22 =	vld.idx.msk [tilespmem:v22+s13+$0x0], $0xffff  }
0xb7: {  	v27 =	vand.u32 $0x1FF, v5;
	v13 =	vmul.f32 v13, v26;
	v26 =	vshra.s32 v8, $0x14;
	v28 =	vld [tilespmem:s30+$0x10];
	s30 =	smov.u32 s2  }
0xb8: {  	v18 =	vand.u32 $0x7FF, v18;
	v29 =	vunpack.i.l.bf16.f32 v16;
	v8 =	vand.u32 $0x1FF, v8;
	v7 =	vld.idx.msk [tilespmem:v7+s16+$0x0], $0xffff  }
0xb9: {  	v31 =	vunpack.i.l.bf16.f32 v21;
	v13 =	vmul.f32 v14, v13;
	v14 =	vmul.f32 v17, v29;
	v30 =	vld [tilespmem:s2+$0x30]  }
0xba: {  	v29 =	vunpack.i.l.bf16.f32 v11;
	v17 =	vmul.f32 v19, v31;
	v19 =	vld.idx.msk [tilespmem:v25+s16+$0x0], $0xffff;
	v25 =	vshra.s32 v5, $0x14  }
0xbb: {  	v6 =	vadd.f32 v13, v6;
	v12 =	vmul.f32 v12, v14;
	[tilespmem:v15+s22+$0x0] =	vst.idx.add.f32.msk $0xffff, v13;
	v13 =	vand.u32 $0x7FF, v23  }
0xbc: {  	v15 =	vmul.f32 v22, v29;
	v14 =	vld.idx.msk [tilespmem:v26+s13+$0x0], $0xffff;
	v22 =	vshra.s32 v28, $0x14  }
0xbd: {  	v10 =	vshrl.u32 v10, $0x9;
	v6 =	vadd.f32 v12, v6;
	v8 =	vld.idx.msk [tilespmem:v8+s16+$0x0], $0xffff  }
0xbe: {  	v7 =	vmul.f32 v7, v15;
	v23 =	vshrl.u32 v30, $0x9;
	[tilespmem:v18+s22+$0x0] =	vst.idx.add.f32.msk $0xffff, v12;
	v12 =	vand.u32 $0x1FF, v28  }
0xbf: {  	v10 =	vand.u32 $0x7FF, v10;
	v15 =	vld.idx.msk [tilespmem:v25+s13+$0x0], $0xffff  }
0xc0: {  	v18 =	vshra.s32 v30, $0x14;
	v6 =	vadd.f32 v7, v6;
	v25 =	vld.idx.msk [tilespmem:v27+s16+$0x0], $0xffff  }
0xc1: {  	v24 =	vand.u32 $0x7FF, v24;
	v20 =	vunpack.i.u.bf16.f32 v20;
	[tilespmem:v13+s22+$0x0] =	vst.idx.add.f32.msk $0xffff, v7  }
0xc2: {  	v7 =	vmul.f32 v14, v20;
	v6 =	vadd.f32 v4, v6;
	v4 =	vmul.f32 v19, v17;
	v13 =	vld.idx.msk [tilespmem:v22+s13+$0x0], $0xffff  }
0xc3: {  	v16 =	vunpack.i.u.bf16.f32 v16;
	v5 =	vshrl.u32 v5, $0x9;
	v14 =	vand.u32 $0x1FF, v30;
	v17 =	vld.idx.msk [tilespmem:v12+s16+$0x0], $0xffff  }
0xc4: {  	v7 =	vmul.f32 v8, v7;
	v8 =	vand.u32 $0x7FF, v5;
	[tilespmem:v10+s22+$0x0] =	vst.idx.add.f32.msk $0xffff, v4  }
0xc5: {  	v10 =	vmul.f32 v15, v16;
	v18 =	vld.idx.msk [tilespmem:v18+s13+$0x0], $0xffff  }
0xc6: {  	v11 =	vunpack.i.u.bf16.f32 v11;
	v12 =	vadd.f32 v7, v9;
	[tilespmem:v24+s22+$0x0] =	vst.idx.add.f32.msk $0xffff, v7;
	v7 =	vshrl.u32 v28, $0x9  }
.Ltmp2:
0xc7: {  	v10 =	vmul.f32 v25, v10;
	v5 =	vld [tilespmem:s2+$0xFFFFFFF0];
	v9 =	vand.u32 $0x7FF, v7;
	(pc) =	sbr.rel @p1 .LBB2_7-.Ltmp2, $4  }
0xc8: {  	v11 =	vmul.f32 v13, v11;
	v7 =	vld.idx.msk [tilespmem:v14+s16+$0x0], $0xffff  }
0xc9: {  	[tilespmem:v8+s22+$0x0] =	vst.idx.add.f32.msk $0xffff, v10;
	v10 =	vadd.f32 v10, v12  }
0xca: {  	v8 =	vunpack.i.u.bf16.f32 v21;
	v11 =	vmul.f32 v17, v11;
	v12 =	vld [tilespmem:s2+$0xFFFFFFE0]  }
0xcb: {  	s12 =	sadd.s32 $0x1, s12;
	p0 =	por !p0, !p0;
	v13 =	vmul.f32 v18, v8;
	v8 =	vand.u32 $0x7FF, v23;
	s2 =	sadd.s32 $0x80, s2;
	v14 =	vld [tilespmem:s30+$0xFFFFFFC0]  }
0xcc: {  	_ =	sdelay $0x2  }
0xcd: {  	v15 =	vld [tilespmem:s30+$0x0];
	v20 =	vshra.s32 v12, $0x14  }
0xce: {  	v19 =	vld [tilespmem:s30+$0xFFFFFFD0];
	v16 =	vshra.s32 v14, $0x14  }
0xcf: {  	s31 =	sand.u32 $0x3F80, s31;
	v27 =	vld [tilespmem:s30+$0x10];
	v22 =	vand.u32 $0x1FF, v12  }
0xd0: {  	v21 =	vld [tilespmem:s31+$0x8020];
	v18 =	vand.u32 $0x1FF, v14  }
0xd1: {  	v23 =	vld [tilespmem:s31+$0x8000]  }
0xd2: {  	v24 =	vshra.s32 v15, $0x14;
	v20 =	vld.idx.msk [tilespmem:v20+s13+$0x0], $0xffff  }
0xd3: {  	v16 =	vld.idx.msk [tilespmem:v16+s13+$0x0], $0xffff  }
0xd4: {  	v25 =	vand.u32 $0x1FF, v15;
	v22 =	vld.idx.msk [tilespmem:v22+s16+$0x0], $0xffff  }
0xd5: {  	s0 =	sshra.s32 s1, $0x1;
	v47 =	vshrl.u32 v12, $0x9;
	v18 =	vld.idx.msk [tilespmem:v18+s16+$0x0], $0xffff  }
0xd6: {  	v17 =	vld [tilespmem:s0+$0x8000];
	v46 =	vshrl.u32 v14, $0x9;
	v12 =	vand.u32 $0x7FF, v47;
	v48 =	vunpack.i.l.bf16.f32 v21  }
0xd7: {  	v14 =	vand.u32 $0x7FF, v46;
	v26 =	vunpack.i.l.bf16.f32 v23;
	v24 =	vld.idx.msk [tilespmem:v24+s13+$0x0], $0xffff;
	v20 =	vmul.f32 v20, v48  }
0xd8: {  	v52 =	vshra.s32 v5, $0x14;
	v16 =	vmul.f32 v16, v26  }
0xd9: {  	v54 =	vand.u32 $0x1FF, v5;
	v25 =	vld.idx.msk [tilespmem:v25+s16+$0x0], $0xffff;
	v20 =	vmul.f32 v22, v20  }
0xda: {  	v15 =	vshrl.u32 v15, $0x9;
	v49 =	vshra.s32 v19, $0x14;
	v16 =	vmul.f32 v18, v16  }
0xdb: {  	v50 =	vunpack.i.l.bf16.f32 v17;
	v15 =	vand.u32 $0x7FF, v15;
	[tilespmem:v12+s22+$0x0] =	vst.idx.add.f32.msk $0xffff, v20  }
0xdc: {  	v53 =	vshra.s32 v27, $0x14;
	v18 =	vmul.f32 v24, v50;
	[tilespmem:v14+s22+$0x0] =	vst.idx.add.f32.msk $0xffff, v16  }
0xdd: {  	v51 =	vand.u32 $0x1FF, v19;
	v14 =	vld.idx.msk [tilespmem:v52+s13+$0x0], $0xffff  }
0xde: {  	v56 =	vand.u32 $0x1FF, v27;
	v18 =	vmul.f32 v25, v18;
	v58 =	vld.idx.msk [tilespmem:v54+s16+$0x0], $0xffff  }
0xdf: {  	v55 =	vld.idx.msk [tilespmem:v49+s13+$0x0], $0xffff  }
0xe0: {  	[tilespmem:v15+s22+$0x0] =	vst.idx.add.f32.msk $0xffff, v18  }
0xe1: {  	v5 =	vshrl.u32 v5, $0x9;
	v12 =	vld.idx.msk [tilespmem:v53+s13+$0x0], $0xffff  }
0xe2: {  	v7 =	vmul.f32 v7, v13;
	v5 =	vand.u32 $0x7FF, v5;
	v22 =	vld.idx.msk [tilespmem:v51+s16+$0x0], $0xffff  }
0xe3: {  	v57 =	vshrl.u32 v19, $0x9;
	v59 =	vshrl.u32 v27, $0x9;
	v21 =	vunpack.i.u.bf16.f32 v21;
	v15 =	vld.idx.msk [tilespmem:v56+s16+$0x0], $0xffff  }
0xe4: {  	v23 =	vunpack.i.u.bf16.f32 v23;
	v13 =	vand.u32 $0x7FF, v57;
	v14 =	vmul.f32 v14, v21  }
0xe5: {  	v17 =	vunpack.i.u.bf16.f32 v17;
	v60 =	vand.u32 $0x7FF, v59;
	v23 =	vmul.f32 v55, v23  }
0xe6: {  	[tilespmem:v9+s22+$0x0] =	vst.idx.add.f32.msk $0xffff, v11;
	v62 =	vmul.f32 v58, v14;
	v12 =	vmul.f32 v12, v17  }
0xe7: {  	v10 =	vadd.f32 v11, v10;
	[tilespmem:v8+s22+$0x0] =	vst.idx.add.f32.msk $0xffff, v7;
	v61 =	vmul.f32 v22, v23  }
0xe8: {  	[tilespmem:v5+s22+$0x0] =	vst.idx.add.f32.msk $0xffff, v62;
	v63 =	vmul.f32 v15, v12  }
0xe9: {  	v3 =	vadd.f32 v3, v10;
	[tilespmem:v13+s22+$0x0] =	vst.idx.add.f32.msk $0xffff, v61  }
0xea: {  	s0 =	simm.s32 $0xC040;
	[tilespmem:v60+s22+$0x0] =	vst.idx.add.f32.msk $0xffff, v63  }
0xeb: {  	v5 =	vadd.f32 v16, v6;
	v3 =	vadd.f32 v61, v3;
	[tilespmem:s0+$0xFFFFFFC0] =	vst v0  }
0xec: {  	p0 =	por $0x1, $0x1;
	[tilespmem:s0+$0x30] =	vst v0  }
.Ltmp3:
0xed: {  	v5 =	vadd.f32 v20, v5;
	v3 =	vadd.f32 v62, v3;
	[tilespmem:s0+$0x20] =	vst v0;
	(pc) =	sbr.rel @!p0 .LBB2_10-.Ltmp3, $4  }
0xee: {  	[tilespmem:s0+$0x10] =	vst v0  }
0xef: {  	v5 =	vadd.f32 v18, v5;
	[tilespmem:s0+$0x0] =	vst v0;
	v6 =	vadd.f32 v63, v3  }
0xf0: {  	[tilespmem:s0+$0xFFFFFFF0] =	vst v0  }
0xf1: {  	s1 =	simm.s32 $0x0;
	[tilespmem:s0+$0xFFFFFFE0] =	vst v0;
	v3 =	vadd.f32 v4, v5;
	v4 =	vadd.f32 v7, v6  }
.LBB2_9:
0xf2: {  	s1 =	sadd.s32 $0x8, s1;
	[tilespmem:s0+$0xFFFFFFD0] =	vst v0;
	s0 =	sadd.s32 $0x80, s0  }
0xf3: {  	[tilespmem:s0+$0xFFFFFFC0] =	vst v0;
	p0 =	slt.u32 s1, $0x78  }
0xf4: {  	[tilespmem:s0+$0x30] =	vst v0  }
.Ltmp4:
0xf5: {  	[tilespmem:s0+$0x20] =	vst v0;
	(pc) =	sbr.rel @p0 .LBB2_9-.Ltmp4, $4  }
0xf6: {  	[tilespmem:s0+$0x10] =	vst v0  }
0xf7: {  	[tilespmem:s0+$0x0] =	vst v0  }
0xf8: {  	[tilespmem:s0+$0xFFFFFFF0] =	vst v0  }
0xf9: {  	[tilespmem:s0+$0xFFFFFFE0] =	vst v0  }
.LBB2_10:
0xfa: {  	_ = 	snop  }
0xfb: {  	v3 =	vadd.f32 v4, v3;
	_ =	sdelay $0x1  }
0xfc: {  	(xrf2) =	vadd.scan.msk.f32 $0xffff, v3;
	_ =	sdelay $0x9  }
0xfd: {  	v3, _, _ =	vpop (xrf2)  }
0xfe: {  	v3 =	vbroadcast v3, $0xF;
	_ =	sdelay $0x1  }
0xff: {  	(erf) = vrcp.f32 v3  }
0x100: {  	s29 =	sshll.u32 s28, $0x1;
	p0 =	seq.s32 s28, $0x95  }
0x101: {  	s1 =	sadd.s32 @!p0 $0x2, s29  }
0x102: {  	s2 =	sshll.u32 @!p0 s1, $0x9  }
0x103: {  	s1 =	sshll.u32 @!p0 s1, $0x7;
	s2 =	sand.u32 @!p0 $0x7F000, s2  }
0x104: {  	s1 =	sand.u32 @!p0 $0x300, s1;
	s2 =	sadd.s32 @!p0 s6, s2  }
0x105: {  	s1 =	sor.u32 @!p0 s1, s2  }
0x106: {  	[tilespmem:s0+$0xFFFFFFD0] =	vst v0;
	s0 =	simm.s32 @!p0 $0x80;
	s1 =	sshrl.u32 @!p0 s1, $0x3  }
0x107: {  	s5 =	simm.s32 @!p0 $0xD000;
	s2 =	simm.s32 @!p0 $0x400;
	s1 =	sadd.s32 @!p0 s4, s1  }
0x108: {  	[tilespmem:s5], [sflag:$0x1] =	stream.strided.gather @!p0 [hbm4b:s1+s0], $0x200, s2, s0, $0x38;
	v4 =	vpop (erf);
	[tilespmem:$0xD580] =	vst v63  }
0x109: {  	_ =	swait.ge [sflag:s23], $0x200  }
0x10a: {  	[sflag:s23] =	ssyncset.done $0x0  }
0x10b: {  	s2 =	simm.s32 $0xD220;
	[sflag:s23] =	ssyncadd.s32 $0xFFFFFE00  }
0x10c: {  	v5 =	vld [tilespmem:s2+$0xFFFFFFF0]  }
0x10d: {  	v6 =	vld [tilespmem:s2+$0x10]  }
0x10e: {  	v7 =	vld [tilespmem:s2+$0xFFFFFFE0]  }
0x10f: {  	s1 =	simm.s32 $0xD260;
	v8 =	vld [tilespmem:s2+$0x0]  }
0x110: {  	v9 =	vld [tilespmem:s1+$0xFFFFFFF0]  }
0x111: {  	v5 =	vmul.f32 $1.442695020e+00, v5  }
0x112: {  	v10 =	vld [tilespmem:s1+$0x10];
	v6 =	vmul.f32 $1.442695020e+00, v6  }
0x113: {  	v7 =	vmul.f32 $1.442695020e+00, v7;
	(erf) = vpow2.f32 v5;
	v5 =	vld [tilespmem:s1+$0xFFFFFFE0]  }
0x114: {  	s0 =	simm.s32 $0xD2A0;
	v8 =	vmul.f32 $1.442695020e+00, v8;
	(erf) = vpow2.f32 v6;
	v6 =	vld [tilespmem:s1+$0x0]  }
0x115: {  	v9 =	vmul.f32 $1.442695020e+00, v9;
	(erf) = vpow2.f32 v7;
	v7 =	vld [tilespmem:s0+$0xFFFFFFF0]  }
0x116: {  	v11 =	vld [tilespmem:s0+$0x10];
	(erf) = vpow2.f32 v8  }
0x117: {  	v8 =	vmul.f32 $1.442695020e+00, v10;
	(erf) = vpow2.f32 v9;
	v9 =	vld [tilespmem:s0+$0xFFFFFFE0]  }
0x118: {  	v5 =	vmul.f32 $1.442695020e+00, v5  }
0x119: {  	(erf) = vpow2.f32 v8  }
0x11a: {  	v6 =	vmul.f32 $1.442695020e+00, v6;
	v7 =	vmul.f32 $1.442695020e+00, v7  }
0x11b: {  	s12 =	simm.s32 $0xD2E0;
	v11 =	vmul.f32 $1.442695020e+00, v11;
	v10 =	vld [tilespmem:s0+$0x0];
	(erf) = vpow2.f32 v5  }
0x11c: {  	v12 =	vld [tilespmem:s12+$0xFFFFFFF0];
	v5 =	vpop (erf);
	(erf) = vpow2.f32 v6;
	v15 =	vmul.f32 $1.442695020e+00, v9  }
0x11d: {  	v13 =	vmul.f32 v5, v4;
	v5 =	vpop (erf);
	(erf) = vpow2.f32 v7  }
0x11e: {  	v6 =	vld [tilespmem:s12+$0x10];
	v7 =	vpop (erf);
	(erf) = vpow2.f32 v11  }
0x11f: {  	v14 =	vmul.f32 v5, v4;
	v5 =	vld [tilespmem:s12+$0xFFFFFFE0];
	v11 =	vpop (erf);
	(erf) = vpow2.f32 v15  }
0x120: {  	v8 =	vmul.f32 $1.442695020e+00, v10;
	[tilespmem:s2+$0xFFFFFFF0] =	vst v13  }
0x121: {  	s30 =	simm.s32 $0x4;
	s24 =	simm.s32 $0xC;
	s31 =	simm.s32 $0xD320;
	v10 =	vmul.f32 $1.442695020e+00, v12;
	v9 =	vmul.f32 v7, v4;
	v7 =	vld [tilespmem:s12+$0x0];
	[tilespmem:s2+$0x10] =	vst v14;
	v12 =	vpop (erf)  }
.LBB2_11:
0x122: {  	s24 =	sadd.s32 $0x4, s24  }
0x123: {  	v13 =	vld [tilespmem:s31+$0xFFFFFFF0];
	v14 =	vmul.f32 $1.442695020e+00, v6;
	[tilespmem:s2+$0xFFFFFFE0] =	vst v9;
	v9 =	vmul.f32 v11, v4;
	p1 =	slt.u32 s24, $0x1C  }
.Ltmp5:
0x124: {  	v16 =	vmul.f32 v12, v4;
	v6 =	vld [tilespmem:s31+$0x10];
	(erf) = vpow2.f32 v8;
	v8 =	vpop (erf);
	v12 =	vmov v5;
	(pc) =	sbr.rel @p1 .LBB2_11-.Ltmp5, $4  }
0x125: {  	v5 =	vld [tilespmem:s31+$0xFFFFFFE0];
	(erf) = vpow2.f32 v10;
	v10 =	vmul.f32 v8, v4;
	v15 =	vpop (erf);
	[tilespmem:s2+$0x0] =	vst v9;
	s2 =	smov.u32 s1;
	s1 =	smov.u32 s0;
	s0 =	smov.u32 s12  }
0x126: {  	v17 =	vmul.f32 $1.442695020e+00, v12;
	v8 =	vmul.f32 $1.442695020e+00, v7;
	s12 =	smov.u32 s31;
	v7 =	vld [tilespmem:s31+$0x0];
	[tilespmem:s2+$0xFFFFFFF0] =	vst v16  }
0x127: {  	v9 =	vmul.f32 v15, v4;
	(erf) = vpow2.f32 v14;
	[tilespmem:s2+$0x10] =	vst v10;
	v11 =	vpop (erf)  }
0x128: {  	s31 =	sadd.s32 $0x40, s31;
	v10 =	vmul.f32 $1.442695020e+00, v13;
	(erf) = vpow2.f32 v17;
	v12 =	vpop (erf)  }
0x129: {  	_ = 	snop  }
0x12a: {  	v6 =	vmul.f32 $1.442695020e+00, v6  }
0x12b: {  	(erf) = vpow2.f32 v8;
	v7 =	vmul.f32 $1.442695020e+00, v7  }
0x12c: {  	(erf) = vpow2.f32 v10;
	v5 =	vmul.f32 $1.442695020e+00, v5  }
0x12d: {  	v8 =	vpop (erf);
	(erf) = vpow2.f32 v6;
	v6 =	vmul.f32 v12, v4  }
0x12e: {  	(erf) = vpow2.f32 v5;
	v5 =	vmul.f32 v8, v4;
	v8 =	vpop (erf)  }
0x12f: {  	(erf) = vpow2.f32 v7;
	[tilespmem:s1+$0xFFFFFFF0] =	vst v6;
	v6 =	vmul.f32 v8, v4;
	v7 =	vpop (erf)  }
0x130: {  	v8 =	vpop (erf)  }
0x131: {  	[tilespmem:s1+$0xFFFFFFE0] =	vst v6;
	v6 =	vmul.f32 v8, v4  }
0x132: {  	v11 =	vmul.f32 v11, v4;
	[tilespmem:s1+$0x10] =	vst v5;
	v5 =	vmul.f32 v7, v4;
	v7 =	vpop (erf)  }
0x133: {  	[tilespmem:s2+$0xFFFFFFE0] =	vst v9;
	v7 =	vmul.f32 v7, v4  }
0x134: {  	[tilespmem:s2+$0x0] =	vst v11;
	v8 =	vpop (erf)  }
0x135: {  	[tilespmem:s0+$0xFFFFFFF0] =	vst v6;
	v6 =	vpop (erf)  }
0x136: {  	[tilespmem:s1+$0x0] =	vst v5;
	v5 =	vmul.f32 v8, v4;
	v6 =	vmul.f32 v6, v4  }
0x137: {  	[tilespmem:s0+$0x10] =	vst v7;
	v7 =	vpop (erf)  }
0x138: {  	[tilespmem:s0+$0xFFFFFFE0] =	vst v5;
	v5 =	vmul.f32 v7, v4;
	v7 =	vpop (erf)  }
0x139: {  	v7 =	vmul.f32 v7, v4;
	v8 =	vpop (erf);
	[tilespmem:s0+$0x0] =	vst v6  }
0x13a: {  	[tilespmem:s12+$0xFFFFFFF0] =	vst v5;
	v5 =	vmul.f32 v8, v4;
	v6 =	vpop (erf)  }
0x13b: {  	[tilespmem:s12+$0x10] =	vst v7;
	v4 =	vmul.f32 v6, v4  }
0x13c: {  	[tilespmem:s12+$0xFFFFFFE0] =	vst v5  }
0x13d: {  	s0 =	simm.s32 $0x40;
	[tilespmem:s12+$0x0] =	vst v4  }
0x13e: {  	v4 =	vld [tilespmem:s0+$0x20];
	_ =	sdelay $0x2  }
0x13f: {  	p1 =	por $0x0, $0x0;
	s1 =	simm.s32 $0x1  }
0x140: {  	s1 =	simm.s32 @!p1 $0x0  }
0x141: {  	s1 =	sadd.s32 $0x0, s1;
	v5 =	vshra.s32 v4, $0x14  }
0x142: {  	s7 =	sor.u32 $0xC0, s1  }
0x143: {  	s2 =	sshra.s32 s7, $0x1;
	v6 =	vand.u32 $0x1FF, v4  }
0x144: {  	v7 =	vld [tilespmem:s2+$0x8000]  }
0x145: {  	v8 =	vld [tilespmem:s0+$0x30]  }
0x146: {  	v5 =	vld.idx.msk [tilespmem:v5+s22+$0x0], $0xffff;
	_ =	sdelay $0x1  }
0x147: {  	v6 =	vld.idx.msk [tilespmem:v6+s17+$0x0], $0xffff  }
0x148: {  	v4 =	vshrl.u32 v4, $0x9  }
0x149: {  	v9 =	vunpack.i.l.bf16.f32 v7;
	v4 =	vand.u32 $0x7FF, v4  }
0x14a: {  	s1 =	sor.u32 $0x80, s1;
	v5 =	vmul.f32 v5, v9;
	v9 =	vshra.s32 v8, $0x14  }
0x14b: {  	s5 =	simm.s32 $0x0;
	s1 =	sshra.s32 s1, $0x1;
	v11 =	vld [tilespmem:s0+$0xFFFFFFE0]  }
0x14c: {  	s12 =	sand.u32 $0x3F80, s5;
	v12 =	vld [tilespmem:s1+$0x8000];
	v10 =	vmul.f32 v6, v5;
	v5 =	vand.u32 $0x1FF, v8  }
0x14d: {  	v15 =	vld [tilespmem:s12+$0x8020]  }
0x14e: {  	[tilespmem:v4+s13+$0x0] =	vst.idx.add.f32.msk $0xffff, v10  }
0x14f: {  	v4 =	vld.idx.msk [tilespmem:v9+s22+$0x0], $0xffff  }
0x150: {  	v9 =	vld [tilespmem:s0+$0xFFFFFFC0]  }
0x151: {  	v5 =	vld.idx.msk [tilespmem:v5+s17+$0x0], $0xffff  }
0x152: {  	p1 =	por !p1, !p1;
	s1 =	simm.s32 $0x1;
	v18 =	vld [tilespmem:s12+$0x8000];
	v6 =	vshrl.u32 v8, $0x9  }
0x153: {  	s31 =	simm.s32 $0xC0;
	v25 =	vld [tilespmem:s0+$0x10];
	s1 =	simm.s32 @!p1 $0x0;
	v7 =	vunpack.i.u.bf16.f32 v7;
	v6 =	vand.u32 $0x7FF, v6  }
0x154: {  	v28 =	vld [tilespmem:s31+$0x30];
	s9 =	sadd.s32 $0x80, s1;
	v4 =	vmul.f32 v4, v7  }
0x155: {  	s24 =	sor.u32 $0xC0, s9;
	v7 =	vld [tilespmem:s31+$0x20];
	v13 =	vshra.s32 v9, $0x14  }
0x156: {  	s5 =	sshra.s32 s24, $0x1;
	v16 =	vshra.s32 v11, $0x14;
	v4 =	vmul.f32 v5, v4;
	v5 =	vld [tilespmem:s0+$0x0]  }
0x157: {  	v19 =	vld [tilespmem:s5+$0x8000];
	v14 =	vand.u32 $0x1FF, v9  }
0x158: {  	[tilespmem:v6+s13+$0x0] =	vst.idx.add.f32.msk $0xffff, v4  }
0x159: {  	v20 =	vand.u32 $0x1FF, v11;
	v6 =	vld [tilespmem:s0+$0xFFFFFFD0]  }
0x15a: {  	v17 =	vshra.s32 v7, $0x14;
	v13 =	vld.idx.msk [tilespmem:v13+s22+$0x0], $0xffff  }
0x15b: {  	v16 =	vld.idx.msk [tilespmem:v16+s22+$0x0], $0xffff;
	v21 =	vshra.s32 v5, $0x14  }
0x15c: {  	v14 =	vld.idx.msk [tilespmem:v14+s17+$0x0], $0xffff;
	v22 =	vand.u32 $0x1FF, v5  }
0x15d: {  	v8 =	vld [tilespmem:s0+$0xFFFFFFF0];
	v9 =	vshrl.u32 v9, $0x9;
	v23 =	vand.u32 $0x1FF, v7  }
0x15e: {  	v24 =	vunpack.i.l.bf16.f32 v18;
	v20 =	vld.idx.msk [tilespmem:v20+s17+$0x0], $0xffff;
	v9 =	vand.u32 $0x7FF, v9  }
0x15f: {  	v51 =	vshra.s32 v6, $0x14;
	v17 =	vld.idx.msk [tilespmem:v17+s22+$0x0], $0xffff;
	v13 =	vmul.f32 v13, v24  }
0x160: {  	v11 =	vshrl.u32 v11, $0x9;
	v26 =	vand.u32 $0x1FF, v6;
	v21 =	vld.idx.msk [tilespmem:v21+s22+$0x0], $0xffff  }
0x161: {  	v27 =	vunpack.i.l.bf16.f32 v15;
	v11 =	vand.u32 $0x7FF, v11;
	v22 =	vld.idx.msk [tilespmem:v22+s17+$0x0], $0xffff;
	v13 =	vmul.f32 v14, v13  }
0x162: {  	v52 =	vshra.s32 v8, $0x14;
	v14 =	vmul.f32 v16, v27;
	v16 =	vld.idx.msk [tilespmem:v23+s17+$0x0], $0xffff  }
0x163: {  	v53 =	vand.u32 $0x1FF, v8;
	v5 =	vshrl.u32 v5, $0x9;
	[tilespmem:v9+s13+$0x0] =	vst.idx.add.f32.msk $0xffff, v13  }
0x164: {  	v5 =	vand.u32 $0x7FF, v5;
	v9 =	vunpack.i.l.bf16.f32 v12;
	v14 =	vmul.f32 v20, v14;
	v54 =	vld.idx.msk [tilespmem:v51+s22+$0x0], $0xffff  }
0x165: {  	v61 =	vimm.f32 $0.0e+00;
	v55 =	vshra.s32 v25, $0x14;
	v56 =	vld.idx.msk [tilespmem:v26+s17+$0x0], $0xffff;
	v9 =	vmul.f32 v21, v9  }
0x166: {  	v59 =	vshra.s32 v28, $0x14;
	v7 =	vshrl.u32 v7, $0x9;
	[tilespmem:v11+s13+$0x0] =	vst.idx.add.f32.msk $0xffff, v14;
	v11 =	vand.u32 $0x1FF, v25  }
0x167: {  	v57 =	vunpack.i.l.bf16.f32 v19;
	v7 =	vand.u32 $0x7FF, v7;
	v58 =	vld.idx.msk [tilespmem:v52+s22+$0x0], $0xffff;
	v9 =	vmul.f32 v22, v9  }
0x168: {  	v18 =	vunpack.i.u.bf16.f32 v18;
	v62 =	vand.u32 $0x1FF, v28;
	v17 =	vmul.f32 v17, v57;
	v60 =	vld.idx.msk [tilespmem:v53+s17+$0x0], $0xffff  }
0x169: {  	v8 =	vshrl.u32 v8, $0x9;
	v6 =	vshrl.u32 v6, $0x9;
	v13 =	vadd.f32 v13, v61;
	[tilespmem:v5+s13+$0x0] =	vst.idx.add.f32.msk $0xffff, v9  }
0x16a: {  	v6 =	vand.u32 $0x7FF, v6;
	v5 =	vmul.f32 v16, v17;
	v16 =	vmul.f32 v54, v18;
	v17 =	vld.idx.msk [tilespmem:v55+s22+$0x0], $0xffff  }
0x16b: {  	v63 =	vld.idx.msk [tilespmem:v11+s17+$0x0], $0xffff;
	v11 =	vunpack.i.u.bf16.f32 v15;
	v15 =	vand.u32 $0x7FF, v8;
	v8 =	vadd.f32 v14, v13  }
0x16c: {  	[tilespmem:v7+s13+$0x0] =	vst.idx.add.f32.msk $0xffff, v5;
	v11 =	vmul.f32 v58, v11  }
0x16d: {  	v7 =	vmul.f32 v56, v16;
	v14 =	vld.idx.msk [tilespmem:v59+s22+$0x0], $0xffff;
	v9 =	vadd.f32 v9, v8  }
0x16e: {  	v8 =	vld.idx.msk [tilespmem:v62+s17+$0x0], $0xffff;
	v11 =	vmul.f32 v60, v11  }
0x16f: {  	[tilespmem:v6+s13+$0x0] =	vst.idx.add.f32.msk $0xffff, v7;
	v13 =	vadd.f32 v7, v61;
	v7 =	vadd.f32 v10, v9;
	v9 =	vshrl.u32 v25, $0x9  }
0x170: {  	v12 =	vunpack.i.u.bf16.f32 v12;
	v6 =	vld [tilespmem:s31+$0xFFFFFFF0];
	v10 =	vand.u32 $0x7FF, v9  }
0x171: {  	v12 =	vmul.f32 v17, v12;
	[tilespmem:v15+s13+$0x0] =	vst.idx.add.f32.msk $0xffff, v11  }
0x172: {  	s12 =	simm.s32 $0x140;
	p1 =	por !p1, !p1;
	s1 =	simm.s32 $0x80;
	v16 =	vshrl.u32 v28, $0x9;
	v11 =	vadd.f32 v11, v13;
	v13 =	vld [tilespmem:s31+$0xFFFFFFE0];
	v9 =	vunpack.i.u.bf16.f32 v19  }
0x173: {  	s2 =	sor.u32 $0x80, s9;
	s24 =	simm.s32 $0x1;
	s0 =	simm.s32 $0x40;
	v15 =	vld [tilespmem:s31+$0xFFFFFFC0];
	v12 =	vmul.f32 v63, v12;
	v14 =	vmul.f32 v14, v9;
	v9 =	vand.u32 $0x7FF, v16  }
.LBB2_13:
0x174: {  	s5 =	simm.s32 $0x1  }
0x175: {  	s30 =	sadd.s32 $0x4, s30;
	s1 =	sadd.s32 $0x80, s1;
	[tilespmem:v10+s13+$0x0] =	vst.idx.add.f32.msk $0xffff, v12;
	v10 =	vadd.f32 v12, v11;
	s5 =	simm.s32 @!p1 $0x0  }
0x176: {  	s9 =	sshra.s32 s2, $0x1;
	s7 =	sshrl.u32 s1, $0x1;
	s5 =	sadd.s32 s5, s1;
	v11 =	vld [tilespmem:s12+$0x20]  }
0x177: {  	p2 =	slt.u32 s30, $0x3FC;
	v10 =	vadd.f32 v4, v10;
	v4 =	vmul.f32 v8, v14;
	s2 =	sor.u32 $0x80, s5;
	s5 =	sor.u32 $0xC0, s5;
	v12 =	vld [tilespmem:s9+$0x8000]  }
0x178: {  	v8 =	vld [tilespmem:s31+$0x0]  }
0x179: {  	v14 =	vshra.s32 v15, $0x14;
	v16 =	vshrl.u32 v15, $0x9;
	[tilespmem:v9+s13+$0x0] =	vst.idx.add.f32.msk $0xffff, v4  }
0x17a: {  	s9 =	sand.u32 $0x3F80, s0;
	s0 =	smov.u32 s7;
	v15 =	vand.u32 $0x1FF, v15;
	v9 =	vld [tilespmem:s31+$0xFFFFFFD0]  }
0x17b: {  	v18 =	vshra.s32 v13, $0x14;
	v19 =	vshrl.u32 v13, $0x9;
	v17 =	vld [tilespmem:s9+$0x8020]  }
0x17c: {  	s5 =	sshra.s32 s5, $0x1;
	v20 =	vshra.s32 v11, $0x14;
	v21 =	vld [tilespmem:s9+$0x8000]  }
0x17d: {  	v13 =	vand.u32 $0x1FF, v13;
	v22 =	vld [tilespmem:s5+$0x8000];
	v23 =	vshra.s32 v8, $0x14;
	v24 =	vshrl.u32 v8, $0x9  }
0x17e: {  	v14 =	vld.idx.msk [tilespmem:v14+s22+$0x0], $0xffff  }
0x17f: {  	v15 =	vld.idx.msk [tilespmem:v15+s17+$0x0], $0xffff;
	v25 =	vshrl.u32 v9, $0x9  }
0x180: {  	v8 =	vand.u32 $0x1FF, v8;
	v18 =	vld.idx.msk [tilespmem:v18+s22+$0x0], $0xffff  }
0x181: {  	v20 =	vld.idx.msk [tilespmem:v20+s22+$0x0], $0xffff  }
0x182: {  	v26 =	vand.u32 $0x1FF, v11;
	v13 =	vld.idx.msk [tilespmem:v13+s17+$0x0], $0xffff  }
0x183: {  	v16 =	vand.u32 $0x7FF, v16;
	v27 =	vunpack.i.l.bf16.f32 v21;
	v23 =	vld.idx.msk [tilespmem:v23+s22+$0x0], $0xffff  }
0x184: {  	v28 =	vand.u32 $0x1FF, v6;
	v14 =	vmul.f32 v14, v27;
	v27 =	vshra.s32 v9, $0x14;
	v29 =	vld [tilespmem:s31+$0x10];
	s31 =	smov.u32 s12  }
0x185: {  	v19 =	vand.u32 $0x7FF, v19;
	v30 =	vunpack.i.l.bf16.f32 v17;
	v9 =	vand.u32 $0x1FF, v9;
	v8 =	vld.idx.msk [tilespmem:v8+s17+$0x0], $0xffff  }
0x186: {  	v32 =	vunpack.i.l.bf16.f32 v22;
	v14 =	vmul.f32 v15, v14;
	v15 =	vmul.f32 v18, v30;
	v31 =	vld [tilespmem:s12+$0x30]  }
0x187: {  	v30 =	vunpack.i.l.bf16.f32 v12;
	v18 =	vmul.f32 v20, v32;
	v20 =	vld.idx.msk [tilespmem:v26+s17+$0x0], $0xffff;
	v26 =	vshra.s32 v6, $0x14  }
0x188: {  	v7 =	vadd.f32 v14, v7;
	v13 =	vmul.f32 v13, v15;
	[tilespmem:v16+s13+$0x0] =	vst.idx.add.f32.msk $0xffff, v14;
	v14 =	vand.u32 $0x7FF, v24  }
0x189: {  	v16 =	vmul.f32 v23, v30;
	v15 =	vld.idx.msk [tilespmem:v27+s22+$0x0], $0xffff;
	v23 =	vshra.s32 v29, $0x14  }
0x18a: {  	v11 =	vshrl.u32 v11, $0x9;
	v7 =	vadd.f32 v13, v7;
	v9 =	vld.idx.msk [tilespmem:v9+s17+$0x0], $0xffff  }
0x18b: {  	v8 =	vmul.f32 v8, v16;
	v24 =	vshrl.u32 v31, $0x9;
	[tilespmem:v19+s13+$0x0] =	vst.idx.add.f32.msk $0xffff, v13;
	v13 =	vand.u32 $0x1FF, v29  }
0x18c: {  	v11 =	vand.u32 $0x7FF, v11;
	v16 =	vld.idx.msk [tilespmem:v26+s22+$0x0], $0xffff  }
0x18d: {  	v19 =	vshra.s32 v31, $0x14;
	v7 =	vadd.f32 v8, v7;
	v26 =	vld.idx.msk [tilespmem:v28+s17+$0x0], $0xffff  }
0x18e: {  	v25 =	vand.u32 $0x7FF, v25;
	v21 =	vunpack.i.u.bf16.f32 v21;
	[tilespmem:v14+s13+$0x0] =	vst.idx.add.f32.msk $0xffff, v8  }
0x18f: {  	v8 =	vmul.f32 v15, v21;
	v7 =	vadd.f32 v5, v7;
	v5 =	vmul.f32 v20, v18;
	v14 =	vld.idx.msk [tilespmem:v23+s22+$0x0], $0xffff  }
0x190: {  	v17 =	vunpack.i.u.bf16.f32 v17;
	v6 =	vshrl.u32 v6, $0x9;
	v15 =	vand.u32 $0x1FF, v31;
	v18 =	vld.idx.msk [tilespmem:v13+s17+$0x0], $0xffff  }
0x191: {  	v8 =	vmul.f32 v9, v8;
	v9 =	vand.u32 $0x7FF, v6;
	[tilespmem:v11+s13+$0x0] =	vst.idx.add.f32.msk $0xffff, v5  }
0x192: {  	v11 =	vmul.f32 v16, v17;
	v19 =	vld.idx.msk [tilespmem:v19+s22+$0x0], $0xffff  }
0x193: {  	v12 =	vunpack.i.u.bf16.f32 v12;
	v13 =	vadd.f32 v8, v10;
	[tilespmem:v25+s13+$0x0] =	vst.idx.add.f32.msk $0xffff, v8;
	v8 =	vshrl.u32 v29, $0x9  }
.Ltmp6:
0x194: {  	v11 =	vmul.f32 v26, v11;
	v6 =	vld [tilespmem:s12+$0xFFFFFFF0];
	v10 =	vand.u32 $0x7FF, v8;
	(pc) =	sbr.rel @p2 .LBB2_13-.Ltmp6, $4  }
0x195: {  	v12 =	vmul.f32 v14, v12;
	v8 =	vld.idx.msk [tilespmem:v15+s17+$0x0], $0xffff  }
0x196: {  	[tilespmem:v9+s13+$0x0] =	vst.idx.add.f32.msk $0xffff, v11;
	v11 =	vadd.f32 v11, v13  }
0x197: {  	v9 =	vunpack.i.u.bf16.f32 v22;
	v12 =	vmul.f32 v18, v12;
	v13 =	vld [tilespmem:s12+$0xFFFFFFE0]  }
0x198: {  	s24 =	sadd.s32 $0x1, s24;
	p1 =	por !p1, !p1;
	v14 =	vmul.f32 v19, v9;
	v9 =	vand.u32 $0x7FF, v24;
	s12 =	sadd.s32 $0x80, s12;
	v15 =	vld [tilespmem:s31+$0xFFFFFFC0]  }
0x199: {  	_ =	sdelay $0x2  }
0x19a: {  	v16 =	vld [tilespmem:s31+$0x0];
	v21 =	vshra.s32 v13, $0x14  }
0x19b: {  	v20 =	vld [tilespmem:s31+$0xFFFFFFD0];
	v17 =	vshra.s32 v15, $0x14  }
0x19c: {  	s0 =	sand.u32 $0x3F80, s0;
	v28 =	vld [tilespmem:s31+$0x10];
	v23 =	vand.u32 $0x1FF, v13  }
0x19d: {  	v22 =	vld [tilespmem:s0+$0x8020];
	v19 =	vand.u32 $0x1FF, v15  }
0x19e: {  	v24 =	vld [tilespmem:s0+$0x8000]  }
0x19f: {  	v25 =	vshra.s32 v16, $0x14;
	v21 =	vld.idx.msk [tilespmem:v21+s22+$0x0], $0xffff  }
0x1a0: {  	v17 =	vld.idx.msk [tilespmem:v17+s22+$0x0], $0xffff  }
0x1a1: {  	v26 =	vand.u32 $0x1FF, v16;
	v23 =	vld.idx.msk [tilespmem:v23+s17+$0x0], $0xffff  }
0x1a2: {  	s1 =	sshra.s32 s2, $0x1;
	v47 =	vshrl.u32 v13, $0x9;
	v19 =	vld.idx.msk [tilespmem:v19+s17+$0x0], $0xffff  }
0x1a3: {  	v18 =	vld [tilespmem:s1+$0x8000];
	v46 =	vshrl.u32 v15, $0x9;
	v13 =	vand.u32 $0x7FF, v47;
	v48 =	vunpack.i.l.bf16.f32 v22  }
0x1a4: {  	v15 =	vand.u32 $0x7FF, v46;
	v27 =	vunpack.i.l.bf16.f32 v24;
	v25 =	vld.idx.msk [tilespmem:v25+s22+$0x0], $0xffff;
	v21 =	vmul.f32 v21, v48  }
0x1a5: {  	v52 =	vshra.s32 v6, $0x14;
	v17 =	vmul.f32 v17, v27  }
0x1a6: {  	v54 =	vand.u32 $0x1FF, v6;
	v26 =	vld.idx.msk [tilespmem:v26+s17+$0x0], $0xffff;
	v21 =	vmul.f32 v23, v21  }
0x1a7: {  	v16 =	vshrl.u32 v16, $0x9;
	v49 =	vshra.s32 v20, $0x14;
	v17 =	vmul.f32 v19, v17  }
0x1a8: {  	v50 =	vunpack.i.l.bf16.f32 v18;
	v16 =	vand.u32 $0x7FF, v16;
	[tilespmem:v13+s13+$0x0] =	vst.idx.add.f32.msk $0xffff, v21  }
0x1a9: {  	v53 =	vshra.s32 v28, $0x14;
	v19 =	vmul.f32 v25, v50;
	[tilespmem:v15+s13+$0x0] =	vst.idx.add.f32.msk $0xffff, v17  }
0x1aa: {  	v51 =	vand.u32 $0x1FF, v20;
	v15 =	vld.idx.msk [tilespmem:v52+s22+$0x0], $0xffff  }
0x1ab: {  	v56 =	vand.u32 $0x1FF, v28;
	v19 =	vmul.f32 v26, v19;
	v58 =	vld.idx.msk [tilespmem:v54+s17+$0x0], $0xffff  }
0x1ac: {  	v55 =	vld.idx.msk [tilespmem:v49+s22+$0x0], $0xffff  }
0x1ad: {  	[tilespmem:v16+s13+$0x0] =	vst.idx.add.f32.msk $0xffff, v19  }
0x1ae: {  	v6 =	vshrl.u32 v6, $0x9;
	v13 =	vld.idx.msk [tilespmem:v53+s22+$0x0], $0xffff  }
0x1af: {  	v8 =	vmul.f32 v8, v14;
	v6 =	vand.u32 $0x7FF, v6;
	v23 =	vld.idx.msk [tilespmem:v51+s17+$0x0], $0xffff  }
0x1b0: {  	v57 =	vshrl.u32 v20, $0x9;
	v59 =	vshrl.u32 v28, $0x9;
	v22 =	vunpack.i.u.bf16.f32 v22;
	v16 =	vld.idx.msk [tilespmem:v56+s17+$0x0], $0xffff  }
0x1b1: {  	v24 =	vunpack.i.u.bf16.f32 v24;
	v14 =	vand.u32 $0x7FF, v57;
	v15 =	vmul.f32 v15, v22  }
0x1b2: {  	v18 =	vunpack.i.u.bf16.f32 v18;
	v60 =	vand.u32 $0x7FF, v59;
	v24 =	vmul.f32 v55, v24  }
0x1b3: {  	[tilespmem:v10+s13+$0x0] =	vst.idx.add.f32.msk $0xffff, v12;
	v62 =	vmul.f32 v58, v15;
	v13 =	vmul.f32 v13, v18  }
0x1b4: {  	v11 =	vadd.f32 v12, v11;
	[tilespmem:v9+s13+$0x0] =	vst.idx.add.f32.msk $0xffff, v8;
	v61 =	vmul.f32 v23, v24  }
0x1b5: {  	[tilespmem:v6+s13+$0x0] =	vst.idx.add.f32.msk $0xffff, v62;
	v63 =	vmul.f32 v16, v13  }
0x1b6: {  	v4 =	vadd.f32 v4, v11;
	[tilespmem:v14+s13+$0x0] =	vst.idx.add.f32.msk $0xffff, v61  }
0x1b7: {  	s0 =	simm.s32 $0xC840;
	[tilespmem:v60+s13+$0x0] =	vst.idx.add.f32.msk $0xffff, v63  }
0x1b8: {  	v6 =	vadd.f32 v17, v7;
	v4 =	vadd.f32 v61, v4;
	[tilespmem:s0+$0xFFFFFFC0] =	vst v0  }
0x1b9: {  	p1 =	por $0x1, $0x1;
	[tilespmem:s0+$0x30] =	vst v0  }
.Ltmp7:
0x1ba: {  	v6 =	vadd.f32 v21, v6;
	v4 =	vadd.f32 v62, v4;
	[tilespmem:s0+$0x20] =	vst v0;
	(pc) =	sbr.rel @!p1 .LBB2_16-.Ltmp7, $4  }
0x1bb: {  	[tilespmem:s0+$0x10] =	vst v0  }
0x1bc: {  	v6 =	vadd.f32 v19, v6;
	[tilespmem:s0+$0x0] =	vst v0;
	v7 =	vadd.f32 v63, v4  }
0x1bd: {  	[tilespmem:s0+$0xFFFFFFF0] =	vst v0  }
0x1be: {  	s1 =	simm.s32 $0x0;
	[tilespmem:s0+$0xFFFFFFE0] =	vst v0;
	v4 =	vadd.f32 v5, v6;
	v5 =	vadd.f32 v8, v7  }
.LBB2_15:
0x1bf: {  	s1 =	sadd.s32 $0x8, s1;
	[tilespmem:s0+$0xFFFFFFD0] =	vst v0;
	s0 =	sadd.s32 $0x80, s0  }
0x1c0: {  	[tilespmem:s0+$0xFFFFFFC0] =	vst v0;
	p1 =	slt.u32 s1, $0x78  }
0x1c1: {  	[tilespmem:s0+$0x30] =	vst v0  }
.Ltmp8:
0x1c2: {  	[tilespmem:s0+$0x20] =	vst v0;
	(pc) =	sbr.rel @p1 .LBB2_15-.Ltmp8, $4  }
0x1c3: {  	[tilespmem:s0+$0x10] =	vst v0  }
0x1c4: {  	[tilespmem:s0+$0x0] =	vst v0  }
0x1c5: {  	[tilespmem:s0+$0xFFFFFFF0] =	vst v0  }
0x1c6: {  	[tilespmem:s0+$0xFFFFFFE0] =	vst v0  }
.LBB2_16:
0x1c7: {  	_ = 	snop  }
0x1c8: {  	v4 =	vadd.f32 v5, v4;
	_ =	sdelay $0x1  }
0x1c9: {  	(xrf2) =	vadd.scan.msk.f32 $0xffff, v4;
	_ =	sdelay $0x9  }
0x1ca: {  	s1 =	sadd.s32 @!p0 $0x3, s29;
	v4, _, _ =	vpop (xrf2)  }
0x1cb: {  	s2 =	sshll.u32 @!p0 s1, $0x9;
	v4 =	vbroadcast v4, $0xF  }
0x1cc: {  	s1 =	sshll.u32 @!p0 s1, $0x7;
	s2 =	sand.u32 @!p0 $0x7F000, s2  }
0x1cd: {  	[tilespmem:s0+$0xFFFFFFD0] =	vst v0;
	s0 =	simm.s32 @!p0 $0x80;
	s1 =	sand.u32 @!p0 $0x380, s1;
	s2 =	sadd.s32 @!p0 s6, s2;
	(erf) = vrcp.f32 v4  }
0x1ce: {  	s5 =	simm.s32 @!p0 $0xD200;
	s30 =	sand.u32 $0xE, s29;
	s1 =	sor.u32 @!p0 s1, s2  }
0x1cf: {  	s31 =	sand.u32 $0x7, s28;
	s28 =	sadd.s32 $0x1, s28;
	s1 =	sshrl.u32 @!p0 s1, $0x3  }
0x1d0: {  	p1 =	sne.s32 s28, $0x96;
	s2 =	simm.s32 @!p0 $0x400;
	s1 =	sadd.s32 @!p0 s4, s1  }
0x1d1: {  	[tilespmem:s5], [sflag:$0x2] =	stream.strided.gather @!p0 [hbm4b:s1+s0], $0x200, s2, s0, $0x38;
	[tilespmem:$0xD580] =	vst v63  }
.Ltmp9:
0x1d2: {  	v5 =	vmov s30;
	s0 =	sor.u32 $0x1, s30;
	(pc) =	sbr.rel @p1 .LBB2_4-.Ltmp9, $4  }
0x1d3: {  	vm0 =	veq.s32 v5, v1;
	v5 =	vmov s0  }
0x1d4: {  	v2 =	vsel vm0, v3, v2;
	p0 =	sne.s32 s31, $0x7;
	vm15 =	veq.s32 v5, v1  }
0x1d5: {  	s0 =	sand.u32 @!p0 $0x1F0, s29;
	v2 =	vsel vm15, v4, v2  }
0x1d6: {  	[tilespmem:s0+$0xD400] =	vst @!p0 v2;
	v2 =	vpsel !p0, $0x3F800000, v2;
	v3 =	vpop (erf)  }
0x1d7: {  	s26 =	sadd.s32 $0x1, s26  }
0x1d8: {  	p0 =	sne.s32 s26, s11  }
.Ltmp10:
0x1d9: {  	[tilespmem:$0xD520] =	vst v2;
	s0 =	simm.s32 $0xD400;
	(pc) =	sbr.rel @p0 .LBB2_1-.Ltmp10, $4  }
0x1da: {  	[hbm4b:s10+s14] =	stream.strided.scatter [tilespmem:s0], [sflag:$0x6], $0x180, s15, s14, $0x38;
	[tilespmem:$0xD580] =	vst v63  }
0x1db: {  	_ =	swait.ge [sflag:s25], $0x180  }
0x1dc: {  	[sflag:s25] =	ssyncset.done $0x0  }
0x1dd: {  	[sflag:s25] =	ssyncadd.s32 $0xFFFFFE80  }
0x1de: {  	_ =	sfence.sel $0x180000  }
0x1df: {  	[bflag:$0x0] =	sbarrier.arrive $0xFFFF  }
0x1e0: {  	_ =	strace $0x90000047  }
0x1e1: {  	s0 =	stileid.u32;
	[bflag:$0x2] =	sbarrier.arrive $0xFFFF  }
0x1e2: {  	p0 =	sne.s32 s0, $0x0;
	s0 =	rddreg [dreg:$0x2]  }
0x1e3: {  	s0 =	sadd.s32 @!p0 $0x100000, s0  }
0x1e4: {  	[sflag:s0] =	ssyncadd.tile.s32 @!p0 $0x1;
	_ =	shalt  }
.Lfunc_end2:
_tile_overlayer_lowered:
.L_overlay_start_2:
0x1e5: {  	(tag) =	ssettag $0x2  }
0x1e6: {  	s0 =	rddreg [dreg:$0x0];
	s2 =	stileid.u32  }
0x1e7: {  	s1 =	rddreg [dreg:$0x1];
	p0 =	sne.s32 s2, $0x0  }
0x1e8: {  	s3 =	rddreg [dreg:$0x2];
	[bflag:$0x3] =	sbarrier.arrive $0xFFFF;
	s2 =	simm.s32 @!p0 $0x1C06  }
0x1e9: {  	[timem:s3], [sflag:s2] =	dma.local @!p0 [hbm:s0], s1  }
0x1ea: {  	s0 =	simm.s32 @!p0 $0x6  }
0x1eb: {  	_ =	swait.ge @!p0 [sflag:s0], s1  }
0x1ec: {  	s1 =	ssub.s32 @!p0 $0x0, s1;
	[sflag:s0] =	ssyncset.done @!p0 $0x0  }
0x1ed: {  	[sflag:s0] =	ssyncadd.s32 @!p0 s1  }
0x1ee: {  	[bflag:$0x3] =	sbarrier.arrive $0xFFFF  }
0x1ef: {  	_ =	shalt  }

</sc_bundles>
